<compile_context>
chip_gen: v7x
topology: tpu7x:2x2x1
jax: 0.10.2.dev20260603
libtpu: 0.0.44.dev20260713+nightly
codegen_flags: <defaults>
</compile_context>

<pallas_src>
import functools

import jax
import jax.numpy as jnp
from jax import lax
from jax.experimental import pallas as pl
from jax.experimental.pallas import tpu as pltpu
from jax.experimental.pallas import tpu_sc as plsc

N_TOK = 8192
N_EMBD = 768
NUM_EXP = 16
BLK = 2048

NC, NS, LANES = 2, 16, 16
NW = NC * NS
TOK_W = N_TOK // NW
TILES_W = TOK_W // LANES


HALF = N_EMBD // 2


def _logits_body(x1_ref, x2_ref, wlT_ref, bl_ref, wnT_ref, bn_ref, nzT_ref,
                 out_ref):
    dn = (((1,), (1,)), ((), ()))
    x1 = x1_ref[...]
    x2 = x2_ref[...]
    lt = (lax.dot_general(wlT_ref[:, :HALF], x1, dn,
                          preferred_element_type=jnp.float32)
          + lax.dot_general(wlT_ref[:, HALF:], x2, dn,
                            preferred_element_type=jnp.float32))
    lt = lt + bl_ref[...][:, None]
    nl = (lax.dot_general(wnT_ref[:, :HALF], x1, dn,
                          preferred_element_type=jnp.float32)
          + lax.dot_general(wnT_ref[:, HALF:], x2, dn,
                            preferred_element_type=jnp.float32))
    nl = nl + bn_ref[...][:, None]
    sp = jnp.maximum(nl, 0.0) + jnp.log1p(jnp.exp(-jnp.abs(nl)))
    out_ref[...] = lt + nzT_ref[...] * sp


def _noisy_logits_t(mh_out, W_lnT, b_ln, W_noiseT, b_noise, noiseT):
    return pl.pallas_call(
        _logits_body,
        grid=(N_TOK // BLK,),
        in_specs=[
            pl.BlockSpec((BLK, HALF), lambda i: (i, 0)),
            pl.BlockSpec((BLK, HALF), lambda i: (i, 1)),
            pl.BlockSpec((NUM_EXP, N_EMBD), lambda i: (0, 0)),
            pl.BlockSpec((NUM_EXP,), lambda i: (0,)),
            pl.BlockSpec((NUM_EXP, N_EMBD), lambda i: (0, 0)),
            pl.BlockSpec((NUM_EXP,), lambda i: (0,)),
            pl.BlockSpec((NUM_EXP, BLK), lambda i: (0, i)),
        ],
        out_specs=pl.BlockSpec((NUM_EXP, BLK), lambda i: (0, i)),
        out_shape=jax.ShapeDtypeStruct((NUM_EXP, N_TOK), jnp.float32),
    )(mh_out, mh_out, W_lnT, b_ln, W_noiseT, b_noise, noiseT)


def _route_body(noisyT_hbm, roT_hbm, indT_hbm, in_v, out_v, ind_v, sem):
    wid = lax.axis_index("s") * NC + lax.axis_index("c")
    base = wid * TOK_W
    pltpu.sync_copy(noisyT_hbm.at[:, pl.ds(base, TOK_W)], in_v)

    neg_inf = jnp.full((LANES,), -jnp.inf, jnp.float32)
    zero = jnp.zeros((LANES,), jnp.float32)
    one = jnp.ones((LANES,), jnp.float32)
    big = jnp.full((LANES,), NUM_EXP, jnp.int32)
    esplat = [jnp.full((LANES,), e, jnp.int32) for e in range(NUM_EXP)]

    def tile(t, carry):
        sl = pl.ds(t * LANES, LANES)
        cols = [in_v[e, sl] for e in range(NUM_EXP)]
        m1, i1 = cols[0], esplat[0]
        m2, i2 = neg_inf, big
        for e in range(1, NUM_EXP):
            v = cols[e]
            gt1 = v > m1
            gt2 = v > m2
            m2 = jnp.where(gt1, m1, jnp.where(gt2, v, m2))
            i2 = jnp.where(gt1, i1, jnp.where(gt2, esplat[e], i2))
            m1 = jnp.where(gt1, v, m1)
            i1 = jnp.where(gt1, esplat[e], i1)
        e2 = jnp.exp(m2 - m1)
        p1 = one / (one + e2)
        p2 = one - p1
        for e in range(NUM_EXP):
            q1 = i1 == esplat[e]
            q2 = i2 == esplat[e]
            out_v[e, sl] = jnp.where(q1, p1, jnp.where(q2, p2, zero))
        ind_v[0, sl] = i1
        ind_v[1, sl] = i2
        return carry

    lax.fori_loop(0, TILES_W, tile, 0)

    pltpu.sync_copy(out_v, roT_hbm.at[:, pl.ds(base, TOK_W)])
    pltpu.sync_copy(ind_v, indT_hbm.at[:, pl.ds(base, TOK_W)])


_route_sc = functools.partial(
    pl.kernel,
    out_type=[
        jax.ShapeDtypeStruct((NUM_EXP, N_TOK), jnp.float32),
        jax.ShapeDtypeStruct((2, N_TOK), jnp.int32),
    ],
    mesh=plsc.VectorSubcoreMesh(core_axis_name="c", subcore_axis_name="s"),
    compiler_params=pltpu.CompilerParams(needs_layout_passes=False, skip_device_barrier=True, disable_bounds_checks=True, disable_semaphore_checks=True),
    scratch_types=[
        pltpu.VMEM((NUM_EXP, TOK_W), jnp.float32),
        pltpu.VMEM((NUM_EXP, TOK_W), jnp.float32),
        pltpu.VMEM((2, TOK_W), jnp.int32),
        pltpu.SemaphoreType.DMA,
    ],
)(_route_body)


@jax.jit
def kernel(mh_out, W_ln, b_ln, W_noise, b_noise, noise):
    noisyT = _noisy_logits_t(mh_out, W_ln.T, b_ln, W_noise.T, b_noise, noise.T)
    roT, indT = _route_sc(noisyT)
    return roT.T, indT.T

# --- scband reference (transcript-rebuilt; emitter-appended) ---
"""Pipeline reference for scband-noisy-top-k-router-56650618634404 (READ-ONLY COPY).

The authoritative reference and input builder live on the scoring server;
editing this copy changes nothing except your own understanding.
"""

import jax, jax.numpy as jnp
import numpy as np

N_TOK = 8192
N_EMBD = 768
NUM_EXP = 16
TOP_K = 2


def setup_inputs(seed: int = 0) -> dict:
    key = jax.random.key(seed)
    k1, k2, k3, k4, k5, k6 = jax.random.split(key, 6)
    mh_out = jax.random.normal(k1, (N_TOK, N_EMBD), dtype=jnp.float32)
    # nn.Linear(n_embd, num_exp) parameters (W stored as [in, out] for x @ W + b)
    bound = 1.0 / np.sqrt(N_EMBD)
    W_ln = jax.random.uniform(k2, (N_EMBD, NUM_EXP), dtype=jnp.float32, minval=-bound, maxval=bound)
    b_ln = jax.random.uniform(k3, (NUM_EXP,), dtype=jnp.float32, minval=-bound, maxval=bound)
    W_noise = jax.random.uniform(k4, (N_EMBD, NUM_EXP), dtype=jnp.float32, minval=-bound, maxval=bound)
    b_noise = jax.random.uniform(k5, (NUM_EXP,), dtype=jnp.float32, minval=-bound, maxval=bound)
    # materialized sample of torch.randn_like(logits)
    noise = jax.random.normal(k6, (N_TOK, NUM_EXP), dtype=jnp.float32)
    return {"mh_out": mh_out, "W_ln": W_ln, "b_ln": b_ln, "W_noise": W_noise, "b_noise": b_noise, "noise": noise}


def reference(mh_out, W_ln, b_ln, W_noise, b_noise, noise):
    logits = mh_out @ W_ln + b_ln
    nl = mh_out @ W_noise + b_noise
    noisy_logits = logits + noise * jax.nn.softplus(nl)
    tk_log, ind = jax.lax.top_k(noisy_logits, TOP_K)
    rows = jnp.arange(noisy_logits.shape[0])[:, None]
    z = jnp.full(noisy_logits.shape, -jnp.inf, dtype=noisy_logits.dtype)
    sl = z.at[rows, ind].set(tk_log)
    ro = jax.nn.softmax(sl, axis=-1)
    return (ro, ind)

if __name__ == "__main__":
    import jax
    _d = setup_inputs()
    print(jax.jit(kernel)(*tuple(_d.values())))

</pallas_src>

<mosaic_0001>
#map = affine_map<(d0, d1) -> (0, 0)>
module attributes {stable_mosaic.version = 14 : i64} {
  func.func @_route_body(%arg0: i32, %arg1: i32, %arg2: memref<16x8192xf32, #tpu.memory_space<hbm>>, %arg3: memref<16x8192xf32, #tpu.memory_space<hbm>>, %arg4: memref<2x8192xi32, #tpu.memory_space<hbm>>, %arg5: memref<16x256xf32, #tpu.memory_space<vmem>>, %arg6: memref<16x256xf32, #tpu.memory_space<vmem>>, %arg7: memref<2x256xi32, #tpu.memory_space<vmem>>, %arg8: memref<!tpu.dma_semaphore, #tpu.memory_space<semaphore_mem>>) attributes {dimension_semantics = [#tpu.dimension_semantics<core_parallel>, #tpu.dimension_semantics<subcore_parallel>], iteration_bounds = array<i64: 2, 16>, scalar_prefetch = 0 : i64, scratch_operands = 4 : i64, tpu.core_type = #tpu.core_type<sc_vector_subcore>, window_params = [{transform_indices = #map}, {transform_indices = #map}, {transform_indices = #map}]} {
    %mul3A = arith.constant 2 : i32
    %mul3A_0 = arith.muli %arg1, %mul3A : i32
    %add3A = arith.addi %mul3A_0, %arg0 : i32
    %mul3A_1 = arith.constant 256 : i32
    %mul3A_2 = arith.muli %add3A, %mul3A_1 : i32
    "tpu.region"() ({
      %run_scoped3A = tpu.sem_alloc : memref<!tpu.dma_semaphore, #tpu.memory_space<semaphore_mem>>
      %dma_start3A = arith.constant 0 : i32
      %dma_start3A_47 = tpu.memref_slice %arg2[%dma_start3A, %mul3A_2] : memref<16x8192xf32, #tpu.memory_space<hbm>> -> memref<16x256xf32, #tpu.memory_space<hbm>>
      %dma_start3A_48 = arith.constant 0 : i32
      %dma_start3A_49 = tpu.memref_slice %arg2[%dma_start3A_48, %mul3A_2] : memref<16x8192xf32, #tpu.memory_space<hbm>> -> memref<16x256xf32, #tpu.memory_space<hbm>>
      tpu.enqueue_dma source(%dma_start3A_49 : memref<16x256xf32, #tpu.memory_space<hbm>>) target(%arg5 : memref<16x256xf32, #tpu.memory_space<vmem>>) target_semaphore(%run_scoped3A : memref<!tpu.dma_semaphore, #tpu.memory_space<semaphore_mem>>)
      %dma_wait3A = arith.constant 0 : i32
      %dma_wait3A_50 = tpu.memref_slice %arg2[%dma_wait3A, %mul3A_2] : memref<16x8192xf32, #tpu.memory_space<hbm>> -> memref<16x256xf32, #tpu.memory_space<hbm>>
      %dma_wait3A_51 = arith.constant 0 : i32
      %dma_wait3A_52 = tpu.memref_slice %arg2[%dma_wait3A_51, %mul3A_2] : memref<16x8192xf32, #tpu.memory_space<hbm>> -> memref<16x256xf32, #tpu.memory_space<hbm>>
      tpu.wait_dma2 semaphore(%run_scoped3A : memref<!tpu.dma_semaphore, #tpu.memory_space<semaphore_mem>>) src(%dma_wait3A_52 : memref<16x256xf32, #tpu.memory_space<hbm>>) dst(%arg5 : memref<16x256xf32, #tpu.memory_space<vmem>>)
      tpu.yield
    }) : () -> ()
    %broadcast_in_dim3A = arith.constant 0xFF800000 : f32
    %broadcast_in_dim3A_3 = vector.broadcast %broadcast_in_dim3A : f32 to vector<16xf32>
    %broadcast_in_dim3A_4 = arith.constant 0.000000e+00 : f32
    %broadcast_in_dim3A_5 = vector.broadcast %broadcast_in_dim3A_4 : f32 to vector<16xf32>
    %broadcast_in_dim3A_6 = arith.constant 1.000000e+00 : f32
    %broadcast_in_dim3A_7 = vector.broadcast %broadcast_in_dim3A_6 : f32 to vector<16xf32>
    %broadcast_in_dim3A_8 = arith.constant 16 : i32
    %broadcast_in_dim3A_9 = vector.broadcast %broadcast_in_dim3A_8 : i32 to vector<16xi32>
    %broadcast_in_dim3A_10 = arith.constant 0 : i32
    %broadcast_in_dim3A_11 = vector.broadcast %broadcast_in_dim3A_10 : i32 to vector<16xi32>
    %broadcast_in_dim3A_12 = arith.constant 1 : i32
    %broadcast_in_dim3A_13 = vector.broadcast %broadcast_in_dim3A_12 : i32 to vector<16xi32>
    %broadcast_in_dim3A_14 = arith.constant 2 : i32
    %broadcast_in_dim3A_15 = vector.broadcast %broadcast_in_dim3A_14 : i32 to vector<16xi32>
    %broadcast_in_dim3A_16 = arith.constant 3 : i32
    %broadcast_in_dim3A_17 = vector.broadcast %broadcast_in_dim3A_16 : i32 to vector<16xi32>
    %broadcast_in_dim3A_18 = arith.constant 4 : i32
    %broadcast_in_dim3A_19 = vector.broadcast %broadcast_in_dim3A_18 : i32 to vector<16xi32>
    %broadcast_in_dim3A_20 = arith.constant 5 : i32
    %broadcast_in_dim3A_21 = vector.broadcast %broadcast_in_dim3A_20 : i32 to vector<16xi32>
    %broadcast_in_dim3A_22 = arith.constant 6 : i32
    %broadcast_in_dim3A_23 = vector.broadcast %broadcast_in_dim3A_22 : i32 to vector<16xi32>
    %broadcast_in_dim3A_24 = arith.constant 7 : i32
    %broadcast_in_dim3A_25 = vector.broadcast %broadcast_in_dim3A_24 : i32 to vector<16xi32>
    %broadcast_in_dim3A_26 = arith.constant 8 : i32
    %broadcast_in_dim3A_27 = vector.broadcast %broadcast_in_dim3A_26 : i32 to vector<16xi32>
    %broadcast_in_dim3A_28 = arith.constant 9 : i32
    %broadcast_in_dim3A_29 = vector.broadcast %broadcast_in_dim3A_28 : i32 to vector<16xi32>
    %broadcast_in_dim3A_30 = arith.constant 10 : i32
    %broadcast_in_dim3A_31 = vector.broadcast %broadcast_in_dim3A_30 : i32 to vector<16xi32>
    %broadcast_in_dim3A_32 = arith.constant 11 : i32
    %broadcast_in_dim3A_33 = vector.broadcast %broadcast_in_dim3A_32 : i32 to vector<16xi32>
    %broadcast_in_dim3A_34 = arith.constant 12 : i32
    %broadcast_in_dim3A_35 = vector.broadcast %broadcast_in_dim3A_34 : i32 to vector<16xi32>
    %broadcast_in_dim3A_36 = arith.constant 13 : i32
    %broadcast_in_dim3A_37 = vector.broadcast %broadcast_in_dim3A_36 : i32 to vector<16xi32>
    %broadcast_in_dim3A_38 = arith.constant 14 : i32
    %broadcast_in_dim3A_39 = vector.broadcast %broadcast_in_dim3A_38 : i32 to vector<16xi32>
    %broadcast_in_dim3A_40 = arith.constant 15 : i32
    %broadcast_in_dim3A_41 = vector.broadcast %broadcast_in_dim3A_40 : i32 to vector<16xi32>
    %scan3A = arith.constant 0 : i32
    %scan3A_42 = arith.constant 0 : i32
    %scan3A_43 = arith.constant 16 : i32
    %scan3A_44 = arith.addi %scan3A_42, %scan3A_43 : i32
    %scan3A_45 = arith.constant 1 : i32
    scf.for %scan3A_47 = %scan3A_42 to %scan3A_44 step %scan3A_45  : i32 {
      %mul3A_48 = arith.constant 16 : i32
      %mul3A_49 = arith.muli %scan3A_47, %mul3A_48 : i32
      %get3A = arith.constant 0 : i32
      %get3A_50 = arith.index_cast %get3A : i32 to index
      %get3A_51 = arith.index_cast %mul3A_49 : i32 to index
      %get3A_52 = tpu.vector_load %arg5[%get3A_50, %get3A_51] {strides = array<i32>} : memref<16x256xf32, #tpu.memory_space<vmem>>, vector<16xf32>,
      %get3A_53 = arith.constant 1 : i32
      %get3A_54 = arith.index_cast %get3A_53 : i32 to index
      %get3A_55 = arith.index_cast %mul3A_49 : i32 to index
      %get3A_56 = tpu.vector_load %arg5[%get3A_54, %get3A_55] {strides = array<i32>} : memref<16x256xf32, #tpu.memory_space<vmem>>, vector<16xf32>,
      %get3A_57 = arith.constant 2 : i32
      %get3A_58 = arith.index_cast %get3A_57 : i32 to index
      %get3A_59 = arith.index_cast %mul3A_49 : i32 to index
      %get3A_60 = tpu.vector_load %arg5[%get3A_58, %get3A_59] {strides = array<i32>} : memref<16x256xf32, #tpu.memory_space<vmem>>, vector<16xf32>,
      %get3A_61 = arith.constant 3 : i32
      %get3A_62 = arith.index_cast %get3A_61 : i32 to index
      %get3A_63 = arith.index_cast %mul3A_49 : i32 to index
      %get3A_64 = tpu.vector_load %arg5[%get3A_62, %get3A_63] {strides = array<i32>} : memref<16x256xf32, #tpu.memory_space<vmem>>, vector<16xf32>,
      %get3A_65 = arith.constant 4 : i32
      %get3A_66 = arith.index_cast %get3A_65 : i32 to index
      %get3A_67 = arith.index_cast %mul3A_49 : i32 to index
      %get3A_68 = tpu.vector_load %arg5[%get3A_66, %get3A_67] {strides = array<i32>} : memref<16x256xf32, #tpu.memory_space<vmem>>, vector<16xf32>,
      %get3A_69 = arith.constant 5 : i32
      %get3A_70 = arith.index_cast %get3A_69 : i32 to index
      %get3A_71 = arith.index_cast %mul3A_49 : i32 to index
      %get3A_72 = tpu.vector_load %arg5[%get3A_70, %get3A_71] {strides = array<i32>} : memref<16x256xf32, #tpu.memory_space<vmem>>, vector<16xf32>,
      %get3A_73 = arith.constant 6 : i32
      %get3A_74 = arith.index_cast %get3A_73 : i32 to index
      %get3A_75 = arith.index_cast %mul3A_49 : i32 to index
      %get3A_76 = tpu.vector_load %arg5[%get3A_74, %get3A_75] {strides = array<i32>} : memref<16x256xf32, #tpu.memory_space<vmem>>, vector<16xf32>,
      %get3A_77 = arith.constant 7 : i32
      %get3A_78 = arith.index_cast %get3A_77 : i32 to index
      %get3A_79 = arith.index_cast %mul3A_49 : i32 to index
      %get3A_80 = tpu.vector_load %arg5[%get3A_78, %get3A_79] {strides = array<i32>} : memref<16x256xf32, #tpu.memory_space<vmem>>, vector<16xf32>,
      %get3A_81 = arith.constant 8 : i32
      %get3A_82 = arith.index_cast %get3A_81 : i32 to index
      %get3A_83 = arith.index_cast %mul3A_49 : i32 to index
      %get3A_84 = tpu.vector_load %arg5[%get3A_82, %get3A_83] {strides = array<i32>} : memref<16x256xf32, #tpu.memory_space<vmem>>, vector<16xf32>,
      %get3A_85 = arith.constant 9 : i32
      %get3A_86 = arith.index_cast %get3A_85 : i32 to index
      %get3A_87 = arith.index_cast %mul3A_49 : i32 to index
      %get3A_88 = tpu.vector_load %arg5[%get3A_86, %get3A_87] {strides = array<i32>} : memref<16x256xf32, #tpu.memory_space<vmem>>, vector<16xf32>,
      %get3A_89 = arith.constant 10 : i32
      %get3A_90 = arith.index_cast %get3A_89 : i32 to index
      %get3A_91 = arith.index_cast %mul3A_49 : i32 to index
      %get3A_92 = tpu.vector_load %arg5[%get3A_90, %get3A_91] {strides = array<i32>} : memref<16x256xf32, #tpu.memory_space<vmem>>, vector<16xf32>,
      %get3A_93 = arith.constant 11 : i32
      %get3A_94 = arith.index_cast %get3A_93 : i32 to index
      %get3A_95 = arith.index_cast %mul3A_49 : i32 to index
      %get3A_96 = tpu.vector_load %arg5[%get3A_94, %get3A_95] {strides = array<i32>} : memref<16x256xf32, #tpu.memory_space<vmem>>, vector<16xf32>,
      %get3A_97 = arith.constant 12 : i32
      %get3A_98 = arith.index_cast %get3A_97 : i32 to index
      %get3A_99 = arith.index_cast %mul3A_49 : i32 to index
      %get3A_100 = tpu.vector_load %arg5[%get3A_98, %get3A_99] {strides = array<i32>} : memref<16x256xf32, #tpu.memory_space<vmem>>, vector<16xf32>,
      %get3A_101 = arith.constant 13 : i32
      %get3A_102 = arith.index_cast %get3A_101 : i32 to index
      %get3A_103 = arith.index_cast %mul3A_49 : i32 to index
      %get3A_104 = tpu.vector_load %arg5[%get3A_102, %get3A_103] {strides = array<i32>} : memref<16x256xf32, #tpu.memory_space<vmem>>, vector<16xf32>,
      %get3A_105 = arith.constant 14 : i32
      %get3A_106 = arith.index_cast %get3A_105 : i32 to index
      %get3A_107 = arith.index_cast %mul3A_49 : i32 to index
      %get3A_108 = tpu.vector_load %arg5[%get3A_106, %get3A_107] {strides = array<i32>} : memref<16x256xf32, #tpu.memory_space<vmem>>, vector<16xf32>,
      %get3A_109 = arith.constant 15 : i32
      %get3A_110 = arith.index_cast %get3A_109 : i32 to index
      %get3A_111 = arith.index_cast %mul3A_49 : i32 to index
      %get3A_112 = tpu.vector_load %arg5[%get3A_110, %get3A_111] {strides = array<i32>} : memref<16x256xf32, #tpu.memory_space<vmem>>, vector<16xf32>,
      %gt3A = arith.cmpf ogt, %get3A_56, %get3A_52 : vector<16xf32>
      %gt3A_113 = arith.cmpf ogt, %get3A_56, %broadcast_in_dim3A_3 : vector<16xf32>
      %select_n3A = arith.select %gt3A_113, %get3A_56, %broadcast_in_dim3A_3 : vector<16xi1>, vector<16xf32>
      %select_n3A_114 = arith.select %gt3A, %get3A_52, %select_n3A : vector<16xi1>, vector<16xf32>
      %select_n3A_115 = arith.select %gt3A_113, %broadcast_in_dim3A_13, %broadcast_in_dim3A_9 : vector<16xi1>, vector<16xi32>
      %select_n3A_116 = arith.select %gt3A, %broadcast_in_dim3A_11, %select_n3A_115 : vector<16xi1>, vector<16xi32>
      %select_n3A_117 = arith.select %gt3A, %get3A_56, %get3A_52 : vector<16xi1>, vector<16xf32>
      %select_n3A_118 = arith.select %gt3A, %broadcast_in_dim3A_13, %broadcast_in_dim3A_11 : vector<16xi1>, vector<16xi32>
      %gt3A_119 = arith.cmpf ogt, %get3A_60, %select_n3A_117 : vector<16xf32>
      %gt3A_120 = arith.cmpf ogt, %get3A_60, %select_n3A_114 : vector<16xf32>
      %select_n3A_121 = arith.select %gt3A_120, %get3A_60, %select_n3A_114 : vector<16xi1>, vector<16xf32>
      %select_n3A_122 = arith.select %gt3A_119, %select_n3A_117, %select_n3A_121 : vector<16xi1>, vector<16xf32>
      %select_n3A_123 = arith.select %gt3A_120, %broadcast_in_dim3A_15, %select_n3A_116 : vector<16xi1>, vector<16xi32>
      %select_n3A_124 = arith.select %gt3A_119, %select_n3A_118, %select_n3A_123 : vector<16xi1>, vector<16xi32>
      %select_n3A_125 = arith.select %gt3A_119, %get3A_60, %select_n3A_117 : vector<16xi1>, vector<16xf32>
      %select_n3A_126 = arith.select %gt3A_119, %broadcast_in_dim3A_15, %select_n3A_118 : vector<16xi1>, vector<16xi32>
      %gt3A_127 = arith.cmpf ogt, %get3A_64, %select_n3A_125 : vector<16xf32>
      %gt3A_128 = arith.cmpf ogt, %get3A_64, %select_n3A_122 : vector<16xf32>
      %select_n3A_129 = arith.select %gt3A_128, %get3A_64, %select_n3A_122 : vector<16xi1>, vector<16xf32>
      %select_n3A_130 = arith.select %gt3A_127, %select_n3A_125, %select_n3A_129 : vector<16xi1>, vector<16xf32>
      %select_n3A_131 = arith.select %gt3A_128, %broadcast_in_dim3A_17, %select_n3A_124 : vector<16xi1>, vector<16xi32>
      %select_n3A_132 = arith.select %gt3A_127, %select_n3A_126, %select_n3A_131 : vector<16xi1>, vector<16xi32>
      %select_n3A_133 = arith.select %gt3A_127, %get3A_64, %select_n3A_125 : vector<16xi1>, vector<16xf32>
      %select_n3A_134 = arith.select %gt3A_127, %broadcast_in_dim3A_17, %select_n3A_126 : vector<16xi1>, vector<16xi32>
      %gt3A_135 = arith.cmpf ogt, %get3A_68, %select_n3A_133 : vector<16xf32>
      %gt3A_136 = arith.cmpf ogt, %get3A_68, %select_n3A_130 : vector<16xf32>
      %select_n3A_137 = arith.select %gt3A_136, %get3A_68, %select_n3A_130 : vector<16xi1>, vector<16xf32>
      %select_n3A_138 = arith.select %gt3A_135, %select_n3A_133, %select_n3A_137 : vector<16xi1>, vector<16xf32>
      %select_n3A_139 = arith.select %gt3A_136, %broadcast_in_dim3A_19, %select_n3A_132 : vector<16xi1>, vector<16xi32>
      %select_n3A_140 = arith.select %gt3A_135, %select_n3A_134, %select_n3A_139 : vector<16xi1>, vector<16xi32>
      %select_n3A_141 = arith.select %gt3A_135, %get3A_68, %select_n3A_133 : vector<16xi1>, vector<16xf32>
      %select_n3A_142 = arith.select %gt3A_135, %broadcast_in_dim3A_19, %select_n3A_134 : vector<16xi1>, vector<16xi32>
      %gt3A_143 = arith.cmpf ogt, %get3A_72, %select_n3A_141 : vector<16xf32>
      %gt3A_144 = arith.cmpf ogt, %get3A_72, %select_n3A_138 : vector<16xf32>
      %select_n3A_145 = arith.select %gt3A_144, %get3A_72, %select_n3A_138 : vector<16xi1>, vector<16xf32>
      %select_n3A_146 = arith.select %gt3A_143, %select_n3A_141, %select_n3A_145 : vector<16xi1>, vector<16xf32>
      %select_n3A_147 = arith.select %gt3A_144, %broadcast_in_dim3A_21, %select_n3A_140 : vector<16xi1>, vector<16xi32>
      %select_n3A_148 = arith.select %gt3A_143, %select_n3A_142, %select_n3A_147 : vector<16xi1>, vector<16xi32>
      %select_n3A_149 = arith.select %gt3A_143, %get3A_72, %select_n3A_141 : vector<16xi1>, vector<16xf32>
      %select_n3A_150 = arith.select %gt3A_143, %broadcast_in_dim3A_21, %select_n3A_142 : vector<16xi1>, vector<16xi32>
      %gt3A_151 = arith.cmpf ogt, %get3A_76, %select_n3A_149 : vector<16xf32>
      %gt3A_152 = arith.cmpf ogt, %get3A_76, %select_n3A_146 : vector<16xf32>
      %select_n3A_153 = arith.select %gt3A_152, %get3A_76, %select_n3A_146 : vector<16xi1>, vector<16xf32>
      %select_n3A_154 = arith.select %gt3A_151, %select_n3A_149, %select_n3A_153 : vector<16xi1>, vector<16xf32>
      %select_n3A_155 = arith.select %gt3A_152, %broadcast_in_dim3A_23, %select_n3A_148 : vector<16xi1>, vector<16xi32>
      %select_n3A_156 = arith.select %gt3A_151, %select_n3A_150, %select_n3A_155 : vector<16xi1>, vector<16xi32>
      %select_n3A_157 = arith.select %gt3A_151, %get3A_76, %select_n3A_149 : vector<16xi1>, vector<16xf32>
      %select_n3A_158 = arith.select %gt3A_151, %broadcast_in_dim3A_23, %select_n3A_150 : vector<16xi1>, vector<16xi32>
      %gt3A_159 = arith.cmpf ogt, %get3A_80, %select_n3A_157 : vector<16xf32>
      %gt3A_160 = arith.cmpf ogt, %get3A_80, %select_n3A_154 : vector<16xf32>
      %select_n3A_161 = arith.select %gt3A_160, %get3A_80, %select_n3A_154 : vector<16xi1>, vector<16xf32>
      %select_n3A_162 = arith.select %gt3A_159, %select_n3A_157, %select_n3A_161 : vector<16xi1>, vector<16xf32>
      %select_n3A_163 = arith.select %gt3A_160, %broadcast_in_dim3A_25, %select_n3A_156 : vector<16xi1>, vector<16xi32>
      %select_n3A_164 = arith.select %gt3A_159, %select_n3A_158, %select_n3A_163 : vector<16xi1>, vector<16xi32>
      %select_n3A_165 = arith.select %gt3A_159, %get3A_80, %select_n3A_157 : vector<16xi1>, vector<16xf32>
      %select_n3A_166 = arith.select %gt3A_159, %broadcast_in_dim3A_25, %select_n3A_158 : vector<16xi1>, vector<16xi32>
      %gt3A_167 = arith.cmpf ogt, %get3A_84, %select_n3A_165 : vector<16xf32>
      %gt3A_168 = arith.cmpf ogt, %get3A_84, %select_n3A_162 : vector<16xf32>
      %select_n3A_169 = arith.select %gt3A_168, %get3A_84, %select_n3A_162 : vector<16xi1>, vector<16xf32>
      %select_n3A_170 = arith.select %gt3A_167, %select_n3A_165, %select_n3A_169 : vector<16xi1>, vector<16xf32>
      %select_n3A_171 = arith.select %gt3A_168, %broadcast_in_dim3A_27, %select_n3A_164 : vector<16xi1>, vector<16xi32>
      %select_n3A_172 = arith.select %gt3A_167, %select_n3A_166, %select_n3A_171 : vector<16xi1>, vector<16xi32>
      %select_n3A_173 = arith.select %gt3A_167, %get3A_84, %select_n3A_165 : vector<16xi1>, vector<16xf32>
      %select_n3A_174 = arith.select %gt3A_167, %broadcast_in_dim3A_27, %select_n3A_166 : vector<16xi1>, vector<16xi32>
      %gt3A_175 = arith.cmpf ogt, %get3A_88, %select_n3A_173 : vector<16xf32>
      %gt3A_176 = arith.cmpf ogt, %get3A_88, %select_n3A_170 : vector<16xf32>
      %select_n3A_177 = arith.select %gt3A_176, %get3A_88, %select_n3A_170 : vector<16xi1>, vector<16xf32>
      %select_n3A_178 = arith.select %gt3A_175, %select_n3A_173, %select_n3A_177 : vector<16xi1>, vector<16xf32>
      %select_n3A_179 = arith.select %gt3A_176, %broadcast_in_dim3A_29, %select_n3A_172 : vector<16xi1>, vector<16xi32>
      %select_n3A_180 = arith.select %gt3A_175, %select_n3A_174, %select_n3A_179 : vector<16xi1>, vector<16xi32>
      %select_n3A_181 = arith.select %gt3A_175, %get3A_88, %select_n3A_173 : vector<16xi1>, vector<16xf32>
      %select_n3A_182 = arith.select %gt3A_175, %broadcast_in_dim3A_29, %select_n3A_174 : vector<16xi1>, vector<16xi32>
      %gt3A_183 = arith.cmpf ogt, %get3A_92, %select_n3A_181 : vector<16xf32>
      %gt3A_184 = arith.cmpf ogt, %get3A_92, %select_n3A_178 : vector<16xf32>
      %select_n3A_185 = arith.select %gt3A_184, %get3A_92, %select_n3A_178 : vector<16xi1>, vector<16xf32>
      %select_n3A_186 = arith.select %gt3A_183, %select_n3A_181, %select_n3A_185 : vector<16xi1>, vector<16xf32>
      %select_n3A_187 = arith.select %gt3A_184, %broadcast_in_dim3A_31, %select_n3A_180 : vector<16xi1>, vector<16xi32>
      %select_n3A_188 = arith.select %gt3A_183, %select_n3A_182, %select_n3A_187 : vector<16xi1>, vector<16xi32>
      %select_n3A_189 = arith.select %gt3A_183, %get3A_92, %select_n3A_181 : vector<16xi1>, vector<16xf32>
      %select_n3A_190 = arith.select %gt3A_183, %broadcast_in_dim3A_31, %select_n3A_182 : vector<16xi1>, vector<16xi32>
      %gt3A_191 = arith.cmpf ogt, %get3A_96, %select_n3A_189 : vector<16xf32>
      %gt3A_192 = arith.cmpf ogt, %get3A_96, %select_n3A_186 : vector<16xf32>
      %select_n3A_193 = arith.select %gt3A_192, %get3A_96, %select_n3A_186 : vector<16xi1>, vector<16xf32>
      %select_n3A_194 = arith.select %gt3A_191, %select_n3A_189, %select_n3A_193 : vector<16xi1>, vector<16xf32>
      %select_n3A_195 = arith.select %gt3A_192, %broadcast_in_dim3A_33, %select_n3A_188 : vector<16xi1>, vector<16xi32>
      %select_n3A_196 = arith.select %gt3A_191, %select_n3A_190, %select_n3A_195 : vector<16xi1>, vector<16xi32>
      %select_n3A_197 = arith.select %gt3A_191, %get3A_96, %select_n3A_189 : vector<16xi1>, vector<16xf32>
      %select_n3A_198 = arith.select %gt3A_191, %broadcast_in_dim3A_33, %select_n3A_190 : vector<16xi1>, vector<16xi32>
      %gt3A_199 = arith.cmpf ogt, %get3A_100, %select_n3A_197 : vector<16xf32>
      %gt3A_200 = arith.cmpf ogt, %get3A_100, %select_n3A_194 : vector<16xf32>
      %select_n3A_201 = arith.select %gt3A_200, %get3A_100, %select_n3A_194 : vector<16xi1>, vector<16xf32>
      %select_n3A_202 = arith.select %gt3A_199, %select_n3A_197, %select_n3A_201 : vector<16xi1>, vector<16xf32>
      %select_n3A_203 = arith.select %gt3A_200, %broadcast_in_dim3A_35, %select_n3A_196 : vector<16xi1>, vector<16xi32>
      %select_n3A_204 = arith.select %gt3A_199, %select_n3A_198, %select_n3A_203 : vector<16xi1>, vector<16xi32>
      %select_n3A_205 = arith.select %gt3A_199, %get3A_100, %select_n3A_197 : vector<16xi1>, vector<16xf32>
      %select_n3A_206 = arith.select %gt3A_199, %broadcast_in_dim3A_35, %select_n3A_198 : vector<16xi1>, vector<16xi32>
      %gt3A_207 = arith.cmpf ogt, %get3A_104, %select_n3A_205 : vector<16xf32>
      %gt3A_208 = arith.cmpf ogt, %get3A_104, %select_n3A_202 : vector<16xf32>
      %select_n3A_209 = arith.select %gt3A_208, %get3A_104, %select_n3A_202 : vector<16xi1>, vector<16xf32>
      %select_n3A_210 = arith.select %gt3A_207, %select_n3A_205, %select_n3A_209 : vector<16xi1>, vector<16xf32>
      %select_n3A_211 = arith.select %gt3A_208, %broadcast_in_dim3A_37, %select_n3A_204 : vector<16xi1>, vector<16xi32>
      %select_n3A_212 = arith.select %gt3A_207, %select_n3A_206, %select_n3A_211 : vector<16xi1>, vector<16xi32>
      %select_n3A_213 = arith.select %gt3A_207, %get3A_104, %select_n3A_205 : vector<16xi1>, vector<16xf32>
      %select_n3A_214 = arith.select %gt3A_207, %broadcast_in_dim3A_37, %select_n3A_206 : vector<16xi1>, vector<16xi32>
      %gt3A_215 = arith.cmpf ogt, %get3A_108, %select_n3A_213 : vector<16xf32>
      %gt3A_216 = arith.cmpf ogt, %get3A_108, %select_n3A_210 : vector<16xf32>
      %select_n3A_217 = arith.select %gt3A_216, %get3A_108, %select_n3A_210 : vector<16xi1>, vector<16xf32>
      %select_n3A_218 = arith.select %gt3A_215, %select_n3A_213, %select_n3A_217 : vector<16xi1>, vector<16xf32>
      %select_n3A_219 = arith.select %gt3A_216, %broadcast_in_dim3A_39, %select_n3A_212 : vector<16xi1>, vector<16xi32>
      %select_n3A_220 = arith.select %gt3A_215, %select_n3A_214, %select_n3A_219 : vector<16xi1>, vector<16xi32>
      %select_n3A_221 = arith.select %gt3A_215, %get3A_108, %select_n3A_213 : vector<16xi1>, vector<16xf32>
      %select_n3A_222 = arith.select %gt3A_215, %broadcast_in_dim3A_39, %select_n3A_214 : vector<16xi1>, vector<16xi32>
      %gt3A_223 = arith.cmpf ogt, %get3A_112, %select_n3A_221 : vector<16xf32>
      %gt3A_224 = arith.cmpf ogt, %get3A_112, %select_n3A_218 : vector<16xf32>
      %select_n3A_225 = arith.select %gt3A_224, %get3A_112, %select_n3A_218 : vector<16xi1>, vector<16xf32>
      %select_n3A_226 = arith.select %gt3A_223, %select_n3A_221, %select_n3A_225 : vector<16xi1>, vector<16xf32>
      %select_n3A_227 = arith.select %gt3A_224, %broadcast_in_dim3A_41, %select_n3A_220 : vector<16xi1>, vector<16xi32>
      %select_n3A_228 = arith.select %gt3A_223, %select_n3A_222, %select_n3A_227 : vector<16xi1>, vector<16xi32>
      %select_n3A_229 = arith.select %gt3A_223, %get3A_112, %select_n3A_221 : vector<16xi1>, vector<16xf32>
      %select_n3A_230 = arith.select %gt3A_223, %broadcast_in_dim3A_41, %select_n3A_222 : vector<16xi1>, vector<16xi32>
      %sub3A = arith.subf %select_n3A_226, %select_n3A_229 : vector<16xf32>
      %exp3A = math.exp %sub3A : vector<16xf32>
      %add3A_231 = arith.addf %broadcast_in_dim3A_7, %exp3A : vector<16xf32>
      %div3A = arith.divf %broadcast_in_dim3A_7, %add3A_231 : vector<16xf32>
      %sub3A_232 = arith.subf %broadcast_in_dim3A_7, %div3A : vector<16xf32>
      %eq3A = arith.cmpi eq, %select_n3A_230, %broadcast_in_dim3A_11 : vector<16xi32>
      %eq3A_233 = arith.cmpi eq, %select_n3A_228, %broadcast_in_dim3A_11 : vector<16xi32>
      %select_n3A_234 = arith.select %eq3A_233, %sub3A_232, %broadcast_in_dim3A_5 : vector<16xi1>, vector<16xf32>
      %select_n3A_235 = arith.select %eq3A, %div3A, %select_n3A_234 : vector<16xi1>, vector<16xf32>
      %swap3A = arith.constant 0 : i32
      %swap3A_236 = arith.index_cast %swap3A : i32 to index
      %swap3A_237 = arith.index_cast %mul3A_49 : i32 to index
      %swap3A_238 = tpu.vector_load %arg6[%swap3A_236, %swap3A_237] {strides = array<i32>} : memref<16x256xf32, #tpu.memory_space<vmem>>, vector<16xf32>,
      tpu.vector_store %arg6[%swap3A_236, %swap3A_237], %select_n3A_235 {strides = array<i32>} : memref<16x256xf32, #tpu.memory_space<vmem>>, vector<16xf32>,
      %eq3A_239 = arith.cmpi eq, %select_n3A_230, %broadcast_in_dim3A_13 : vector<16xi32>
      %eq3A_240 = arith.cmpi eq, %select_n3A_228, %broadcast_in_dim3A_13 : vector<16xi32>
      %select_n3A_241 = arith.select %eq3A_240, %sub3A_232, %broadcast_in_dim3A_5 : vector<16xi1>, vector<16xf32>
      %select_n3A_242 = arith.select %eq3A_239, %div3A, %select_n3A_241 : vector<16xi1>, vector<16xf32>
      %swap3A_243 = arith.constant 1 : i32
      %swap3A_244 = arith.index_cast %swap3A_243 : i32 to index
      %swap3A_245 = arith.index_cast %mul3A_49 : i32 to index
      %swap3A_246 = tpu.vector_load %arg6[%swap3A_244, %swap3A_245] {strides = array<i32>} : memref<16x256xf32, #tpu.memory_space<vmem>>, vector<16xf32>,
      tpu.vector_store %arg6[%swap3A_244, %swap3A_245], %select_n3A_242 {strides = array<i32>} : memref<16x256xf32, #tpu.memory_space<vmem>>, vector<16xf32>,
      %eq3A_247 = arith.cmpi eq, %select_n3A_230, %broadcast_in_dim3A_15 : vector<16xi32>
      %eq3A_248 = arith.cmpi eq, %select_n3A_228, %broadcast_in_dim3A_15 : vector<16xi32>
      %select_n3A_249 = arith.select %eq3A_248, %sub3A_232, %broadcast_in_dim3A_5 : vector<16xi1>, vector<16xf32>
      %select_n3A_250 = arith.select %eq3A_247, %div3A, %select_n3A_249 : vector<16xi1>, vector<16xf32>
      %swap3A_251 = arith.constant 2 : i32
      %swap3A_252 = arith.index_cast %swap3A_251 : i32 to index
      %swap3A_253 = arith.index_cast %mul3A_49 : i32 to index
      %swap3A_254 = tpu.vector_load %arg6[%swap3A_252, %swap3A_253] {strides = array<i32>} : memref<16x256xf32, #tpu.memory_space<vmem>>, vector<16xf32>,
      tpu.vector_store %arg6[%swap3A_252, %swap3A_253], %select_n3A_250 {strides = array<i32>} : memref<16x256xf32, #tpu.memory_space<vmem>>, vector<16xf32>,
      %eq3A_255 = arith.cmpi eq, %select_n3A_230, %broadcast_in_dim3A_17 : vector<16xi32>
      %eq3A_256 = arith.cmpi eq, %select_n3A_228, %broadcast_in_dim3A_17 : vector<16xi32>
      %select_n3A_257 = arith.select %eq3A_256, %sub3A_232, %broadcast_in_dim3A_5 : vector<16xi1>, vector<16xf32>
      %select_n3A_258 = arith.select %eq3A_255, %div3A, %select_n3A_257 : vector<16xi1>, vector<16xf32>
      %swap3A_259 = arith.constant 3 : i32
      %swap3A_260 = arith.index_cast %swap3A_259 : i32 to index
      %swap3A_261 = arith.index_cast %mul3A_49 : i32 to index
      %swap3A_262 = tpu.vector_load %arg6[%swap3A_260, %swap3A_261] {strides = array<i32>} : memref<16x256xf32, #tpu.memory_space<vmem>>, vector<16xf32>,
      tpu.vector_store %arg6[%swap3A_260, %swap3A_261], %select_n3A_258 {strides = array<i32>} : memref<16x256xf32, #tpu.memory_space<vmem>>, vector<16xf32>,
      %eq3A_263 = arith.cmpi eq, %select_n3A_230, %broadcast_in_dim3A_19 : vector<16xi32>
      %eq3A_264 = arith.cmpi eq, %select_n3A_228, %broadcast_in_dim3A_19 : vector<16xi32>
      %select_n3A_265 = arith.select %eq3A_264, %sub3A_232, %broadcast_in_dim3A_5 : vector<16xi1>, vector<16xf32>
      %select_n3A_266 = arith.select %eq3A_263, %div3A, %select_n3A_265 : vector<16xi1>, vector<16xf32>
      %swap3A_267 = arith.constant 4 : i32
      %swap3A_268 = arith.index_cast %swap3A_267 : i32 to index
      %swap3A_269 = arith.index_cast %mul3A_49 : i32 to index
      %swap3A_270 = tpu.vector_load %arg6[%swap3A_268, %swap3A_269] {strides = array<i32>} : memref<16x256xf32, #tpu.memory_space<vmem>>, vector<16xf32>,
      tpu.vector_store %arg6[%swap3A_268, %swap3A_269], %select_n3A_266 {strides = array<i32>} : memref<16x256xf32, #tpu.memory_space<vmem>>, vector<16xf32>,
      %eq3A_271 = arith.cmpi eq, %select_n3A_230, %broadcast_in_dim3A_21 : vector<16xi32>
      %eq3A_272 = arith.cmpi eq, %select_n3A_228, %broadcast_in_dim3A_21 : vector<16xi32>
      %select_n3A_273 = arith.select %eq3A_272, %sub3A_232, %broadcast_in_dim3A_5 : vector<16xi1>, vector<16xf32>
      %select_n3A_274 = arith.select %eq3A_271, %div3A, %select_n3A_273 : vector<16xi1>, vector<16xf32>
      %swap3A_275 = arith.constant 5 : i32
      %swap3A_276 = arith.index_cast %swap3A_275 : i32 to index
      %swap3A_277 = arith.index_cast %mul3A_49 : i32 to index
      %swap3A_278 = tpu.vector_load %arg6[%swap3A_276, %swap3A_277] {strides = array<i32>} : memref<16x256xf32, #tpu.memory_space<vmem>>, vector<16xf32>,
      tpu.vector_store %arg6[%swap3A_276, %swap3A_277], %select_n3A_274 {strides = array<i32>} : memref<16x256xf32, #tpu.memory_space<vmem>>, vector<16xf32>,
      %eq3A_279 = arith.cmpi eq, %select_n3A_230, %broadcast_in_dim3A_23 : vector<16xi32>
      %eq3A_280 = arith.cmpi eq, %select_n3A_228, %broadcast_in_dim3A_23 : vector<16xi32>
      %select_n3A_281 = arith.select %eq3A_280, %sub3A_232, %broadcast_in_dim3A_5 : vector<16xi1>, vector<16xf32>
      %select_n3A_282 = arith.select %eq3A_279, %div3A, %select_n3A_281 : vector<16xi1>, vector<16xf32>
      %swap3A_283 = arith.constant 6 : i32
      %swap3A_284 = arith.index_cast %swap3A_283 : i32 to index
      %swap3A_285 = arith.index_cast %mul3A_49 : i32 to index
      %swap3A_286 = tpu.vector_load %arg6[%swap3A_284, %swap3A_285] {strides = array<i32>} : memref<16x256xf32, #tpu.memory_space<vmem>>, vector<16xf32>,
      tpu.vector_store %arg6[%swap3A_284, %swap3A_285], %select_n3A_282 {strides = array<i32>} : memref<16x256xf32, #tpu.memory_space<vmem>>, vector<16xf32>,
      %eq3A_287 = arith.cmpi eq, %select_n3A_230, %broadcast_in_dim3A_25 : vector<16xi32>
      %eq3A_288 = arith.cmpi eq, %select_n3A_228, %broadcast_in_dim3A_25 : vector<16xi32>
      %select_n3A_289 = arith.select %eq3A_288, %sub3A_232, %broadcast_in_dim3A_5 : vector<16xi1>, vector<16xf32>
      %select_n3A_290 = arith.select %eq3A_287, %div3A, %select_n3A_289 : vector<16xi1>, vector<16xf32>
      %swap3A_291 = arith.constant 7 : i32
      %swap3A_292 = arith.index_cast %swap3A_291 : i32 to index
      %swap3A_293 = arith.index_cast %mul3A_49 : i32 to index
      %swap3A_294 = tpu.vector_load %arg6[%swap3A_292, %swap3A_293] {strides = array<i32>} : memref<16x256xf32, #tpu.memory_space<vmem>>, vector<16xf32>,
      tpu.vector_store %arg6[%swap3A_292, %swap3A_293], %select_n3A_290 {strides = array<i32>} : memref<16x256xf32, #tpu.memory_space<vmem>>, vector<16xf32>,
      %eq3A_295 = arith.cmpi eq, %select_n3A_230, %broadcast_in_dim3A_27 : vector<16xi32>
      %eq3A_296 = arith.cmpi eq, %select_n3A_228, %broadcast_in_dim3A_27 : vector<16xi32>
      %select_n3A_297 = arith.select %eq3A_296, %sub3A_232, %broadcast_in_dim3A_5 : vector<16xi1>, vector<16xf32>
      %select_n3A_298 = arith.select %eq3A_295, %div3A, %select_n3A_297 : vector<16xi1>, vector<16xf32>
      %swap3A_299 = arith.constant 8 : i32
      %swap3A_300 = arith.index_cast %swap3A_299 : i32 to index
      %swap3A_301 = arith.index_cast %mul3A_49 : i32 to index
      %swap3A_302 = tpu.vector_load %arg6[%swap3A_300, %swap3A_301] {strides = array<i32>} : memref<16x256xf32, #tpu.memory_space<vmem>>, vector<16xf32>,
      tpu.vector_store %arg6[%swap3A_300, %swap3A_301], %select_n3A_298 {strides = array<i32>} : memref<16x256xf32, #tpu.memory_space<vmem>>, vector<16xf32>,
      %eq3A_303 = arith.cmpi eq, %select_n3A_230, %broadcast_in_dim3A_29 : vector<16xi32>
      %eq3A_304 = arith.cmpi eq, %select_n3A_228, %broadcast_in_dim3A_29 : vector<16xi32>
      %select_n3A_305 = arith.select %eq3A_304, %sub3A_232, %broadcast_in_dim3A_5 : vector<16xi1>, vector<16xf32>
      %select_n3A_306 = arith.select %eq3A_303, %div3A, %select_n3A_305 : vector<16xi1>, vector<16xf32>
      %swap3A_307 = arith.constant 9 : i32
      %swap3A_308 = arith.index_cast %swap3A_307 : i32 to index
      %swap3A_309 = arith.index_cast %mul3A_49 : i32 to index
      %swap3A_310 = tpu.vector_load %arg6[%swap3A_308, %swap3A_309] {strides = array<i32>} : memref<16x256xf32, #tpu.memory_space<vmem>>, vector<16xf32>,
      tpu.vector_store %arg6[%swap3A_308, %swap3A_309], %select_n3A_306 {strides = array<i32>} : memref<16x256xf32, #tpu.memory_space<vmem>>, vector<16xf32>,
      %eq3A_311 = arith.cmpi eq, %select_n3A_230, %broadcast_in_dim3A_31 : vector<16xi32>
      %eq3A_312 = arith.cmpi eq, %select_n3A_228, %broadcast_in_dim3A_31 : vector<16xi32>
      %select_n3A_313 = arith.select %eq3A_312, %sub3A_232, %broadcast_in_dim3A_5 : vector<16xi1>, vector<16xf32>
      %select_n3A_314 = arith.select %eq3A_311, %div3A, %select_n3A_313 : vector<16xi1>, vector<16xf32>
      %swap3A_315 = arith.constant 10 : i32
      %swap3A_316 = arith.index_cast %swap3A_315 : i32 to index
      %swap3A_317 = arith.index_cast %mul3A_49 : i32 to index
      %swap3A_318 = tpu.vector_load %arg6[%swap3A_316, %swap3A_317] {strides = array<i32>} : memref<16x256xf32, #tpu.memory_space<vmem>>, vector<16xf32>,
      tpu.vector_store %arg6[%swap3A_316, %swap3A_317], %select_n3A_314 {strides = array<i32>} : memref<16x256xf32, #tpu.memory_space<vmem>>, vector<16xf32>,
      %eq3A_319 = arith.cmpi eq, %select_n3A_230, %broadcast_in_dim3A_33 : vector<16xi32>
      %eq3A_320 = arith.cmpi eq, %select_n3A_228, %broadcast_in_dim3A_33 : vector<16xi32>
      %select_n3A_321 = arith.select %eq3A_320, %sub3A_232, %broadcast_in_dim3A_5 : vector<16xi1>, vector<16xf32>
      %select_n3A_322 = arith.select %eq3A_319, %div3A, %select_n3A_321 : vector<16xi1>, vector<16xf32>
      %swap3A_323 = arith.constant 11 : i32
      %swap3A_324 = arith.index_cast %swap3A_323 : i32 to index
      %swap3A_325 = arith.index_cast %mul3A_49 : i32 to index
      %swap3A_326 = tpu.vector_load %arg6[%swap3A_324, %swap3A_325] {strides = array<i32>} : memref<16x256xf32, #tpu.memory_space<vmem>>, vector<16xf32>,
      tpu.vector_store %arg6[%swap3A_324, %swap3A_325], %select_n3A_322 {strides = array<i32>} : memref<16x256xf32, #tpu.memory_space<vmem>>, vector<16xf32>,
      %eq3A_327 = arith.cmpi eq, %select_n3A_230, %broadcast_in_dim3A_35 : vector<16xi32>
      %eq3A_328 = arith.cmpi eq, %select_n3A_228, %broadcast_in_dim3A_35 : vector<16xi32>
      %select_n3A_329 = arith.select %eq3A_328, %sub3A_232, %broadcast_in_dim3A_5 : vector<16xi1>, vector<16xf32>
      %select_n3A_330 = arith.select %eq3A_327, %div3A, %select_n3A_329 : vector<16xi1>, vector<16xf32>
      %swap3A_331 = arith.constant 12 : i32
      %swap3A_332 = arith.index_cast %swap3A_331 : i32 to index
      %swap3A_333 = arith.index_cast %mul3A_49 : i32 to index
      %swap3A_334 = tpu.vector_load %arg6[%swap3A_332, %swap3A_333] {strides = array<i32>} : memref<16x256xf32, #tpu.memory_space<vmem>>, vector<16xf32>,
      tpu.vector_store %arg6[%swap3A_332, %swap3A_333], %select_n3A_330 {strides = array<i32>} : memref<16x256xf32, #tpu.memory_space<vmem>>, vector<16xf32>,
      %eq3A_335 = arith.cmpi eq, %select_n3A_230, %broadcast_in_dim3A_37 : vector<16xi32>
      %eq3A_336 = arith.cmpi eq, %select_n3A_228, %broadcast_in_dim3A_37 : vector<16xi32>
      %select_n3A_337 = arith.select %eq3A_336, %sub3A_232, %broadcast_in_dim3A_5 : vector<16xi1>, vector<16xf32>
      %select_n3A_338 = arith.select %eq3A_335, %div3A, %select_n3A_337 : vector<16xi1>, vector<16xf32>
      %swap3A_339 = arith.constant 13 : i32
      %swap3A_340 = arith.index_cast %swap3A_339 : i32 to index
      %swap3A_341 = arith.index_cast %mul3A_49 : i32 to index
      %swap3A_342 = tpu.vector_load %arg6[%swap3A_340, %swap3A_341] {strides = array<i32>} : memref<16x256xf32, #tpu.memory_space<vmem>>, vector<16xf32>,
      tpu.vector_store %arg6[%swap3A_340, %swap3A_341], %select_n3A_338 {strides = array<i32>} : memref<16x256xf32, #tpu.memory_space<vmem>>, vector<16xf32>,
      %eq3A_343 = arith.cmpi eq, %select_n3A_230, %broadcast_in_dim3A_39 : vector<16xi32>
      %eq3A_344 = arith.cmpi eq, %select_n3A_228, %broadcast_in_dim3A_39 : vector<16xi32>
      %select_n3A_345 = arith.select %eq3A_344, %sub3A_232, %broadcast_in_dim3A_5 : vector<16xi1>, vector<16xf32>
      %select_n3A_346 = arith.select %eq3A_343, %div3A, %select_n3A_345 : vector<16xi1>, vector<16xf32>
      %swap3A_347 = arith.constant 14 : i32
      %swap3A_348 = arith.index_cast %swap3A_347 : i32 to index
      %swap3A_349 = arith.index_cast %mul3A_49 : i32 to index
      %swap3A_350 = tpu.vector_load %arg6[%swap3A_348, %swap3A_349] {strides = array<i32>} : memref<16x256xf32, #tpu.memory_space<vmem>>, vector<16xf32>,
      tpu.vector_store %arg6[%swap3A_348, %swap3A_349], %select_n3A_346 {strides = array<i32>} : memref<16x256xf32, #tpu.memory_space<vmem>>, vector<16xf32>,
      %eq3A_351 = arith.cmpi eq, %select_n3A_230, %broadcast_in_dim3A_41 : vector<16xi32>
      %eq3A_352 = arith.cmpi eq, %select_n3A_228, %broadcast_in_dim3A_41 : vector<16xi32>
      %select_n3A_353 = arith.select %eq3A_352, %sub3A_232, %broadcast_in_dim3A_5 : vector<16xi1>, vector<16xf32>
      %select_n3A_354 = arith.select %eq3A_351, %div3A, %select_n3A_353 : vector<16xi1>, vector<16xf32>
      %swap3A_355 = arith.constant 15 : i32
      %swap3A_356 = arith.index_cast %swap3A_355 : i32 to index
      %swap3A_357 = arith.index_cast %mul3A_49 : i32 to index
      %swap3A_358 = tpu.vector_load %arg6[%swap3A_356, %swap3A_357] {strides = array<i32>} : memref<16x256xf32, #tpu.memory_space<vmem>>, vector<16xf32>,
      tpu.vector_store %arg6[%swap3A_356, %swap3A_357], %select_n3A_354 {strides = array<i32>} : memref<16x256xf32, #tpu.memory_space<vmem>>, vector<16xf32>,
      %swap3A_359 = arith.constant 0 : i32
      %swap3A_360 = arith.index_cast %swap3A_359 : i32 to index
      %swap3A_361 = arith.index_cast %mul3A_49 : i32 to index
      %swap3A_362 = tpu.vector_load %arg7[%swap3A_360, %swap3A_361] {strides = array<i32>} : memref<2x256xi32, #tpu.memory_space<vmem>>, vector<16xi32>,
      tpu.vector_store %arg7[%swap3A_360, %swap3A_361], %select_n3A_230 {strides = array<i32>} : memref<2x256xi32, #tpu.memory_space<vmem>>, vector<16xi32>,
      %swap3A_363 = arith.constant 1 : i32
      %swap3A_364 = arith.index_cast %swap3A_363 : i32 to index
      %swap3A_365 = arith.index_cast %mul3A_49 : i32 to index
      %swap3A_366 = tpu.vector_load %arg7[%swap3A_364, %swap3A_365] {strides = array<i32>} : memref<2x256xi32, #tpu.memory_space<vmem>>, vector<16xi32>,
      tpu.vector_store %arg7[%swap3A_364, %swap3A_365], %select_n3A_228 {strides = array<i32>} : memref<2x256xi32, #tpu.memory_space<vmem>>, vector<16xi32>,
    }
    %scan3A_46 = arith.constant 16 : i32
    "tpu.region"() ({
      %run_scoped3A = tpu.sem_alloc : memref<!tpu.dma_semaphore, #tpu.memory_space<semaphore_mem>>
      %dma_start3A = arith.constant 0 : i32
      %dma_start3A_47 = tpu.memref_slice %arg3[%dma_start3A, %mul3A_2] : memref<16x8192xf32, #tpu.memory_space<hbm>> -> memref<16x256xf32, #tpu.memory_space<hbm>>
      %dma_start3A_48 = arith.constant 0 : i32
      %dma_start3A_49 = tpu.memref_slice %arg3[%dma_start3A_48, %mul3A_2] : memref<16x8192xf32, #tpu.memory_space<hbm>> -> memref<16x256xf32, #tpu.memory_space<hbm>>
      tpu.enqueue_dma source(%arg6 : memref<16x256xf32, #tpu.memory_space<vmem>>) target(%dma_start3A_49 : memref<16x256xf32, #tpu.memory_space<hbm>>) target_semaphore(%run_scoped3A : memref<!tpu.dma_semaphore, #tpu.memory_space<semaphore_mem>>)
      %dma_wait3A = arith.constant 0 : i32
      %dma_wait3A_50 = tpu.memref_slice %arg3[%dma_wait3A, %mul3A_2] : memref<16x8192xf32, #tpu.memory_space<hbm>> -> memref<16x256xf32, #tpu.memory_space<hbm>>
      %dma_wait3A_51 = arith.constant 0 : i32
      %dma_wait3A_52 = tpu.memref_slice %arg3[%dma_wait3A_51, %mul3A_2] : memref<16x8192xf32, #tpu.memory_space<hbm>> -> memref<16x256xf32, #tpu.memory_space<hbm>>
      tpu.wait_dma2 semaphore(%run_scoped3A : memref<!tpu.dma_semaphore, #tpu.memory_space<semaphore_mem>>) src(%arg6 : memref<16x256xf32, #tpu.memory_space<vmem>>) dst(%dma_wait3A_52 : memref<16x256xf32, #tpu.memory_space<hbm>>)
      tpu.yield
    }) : () -> ()
    "tpu.region"() ({
      %run_scoped3A = tpu.sem_alloc : memref<!tpu.dma_semaphore, #tpu.memory_space<semaphore_mem>>
      %dma_start3A = arith.constant 0 : i32
      %dma_start3A_47 = tpu.memref_slice %arg4[%dma_start3A, %mul3A_2] : memref<2x8192xi32, #tpu.memory_space<hbm>> -> memref<2x256xi32, #tpu.memory_space<hbm>>
      %dma_start3A_48 = arith.constant 0 : i32
      %dma_start3A_49 = tpu.memref_slice %arg4[%dma_start3A_48, %mul3A_2] : memref<2x8192xi32, #tpu.memory_space<hbm>> -> memref<2x256xi32, #tpu.memory_space<hbm>>
      tpu.enqueue_dma source(%arg7 : memref<2x256xi32, #tpu.memory_space<vmem>>) target(%dma_start3A_49 : memref<2x256xi32, #tpu.memory_space<hbm>>) target_semaphore(%run_scoped3A : memref<!tpu.dma_semaphore, #tpu.memory_space<semaphore_mem>>)
      %dma_wait3A = arith.constant 0 : i32
      %dma_wait3A_50 = tpu.memref_slice %arg4[%dma_wait3A, %mul3A_2] : memref<2x8192xi32, #tpu.memory_space<hbm>> -> memref<2x256xi32, #tpu.memory_space<hbm>>
      %dma_wait3A_51 = arith.constant 0 : i32
      %dma_wait3A_52 = tpu.memref_slice %arg4[%dma_wait3A_51, %mul3A_2] : memref<2x8192xi32, #tpu.memory_space<hbm>> -> memref<2x256xi32, #tpu.memory_space<hbm>>
      tpu.wait_dma2 semaphore(%run_scoped3A : memref<!tpu.dma_semaphore, #tpu.memory_space<semaphore_mem>>) src(%arg7 : memref<2x256xi32, #tpu.memory_space<vmem>>) dst(%dma_wait3A_52 : memref<2x256xi32, #tpu.memory_space<hbm>>)
      tpu.yield
    }) : () -> ()
    return
  }
}

module attributes {stable_mosaic.version = 14 : i64} {
  func.func @_logits_body(%arg0: i32, %arg1: memref<2048x384xf32, #tpu.memory_space<vmem>>, %arg2: memref<2048x384xf32, #tpu.memory_space<vmem>>, %arg3: memref<16x768xf32, #tpu.memory_space<vmem>>, %arg4: memref<16xf32, #tpu.memory_space<vmem>>, %arg5: memref<16x768xf32, #tpu.memory_space<vmem>>, %arg6: memref<16xf32, #tpu.memory_space<vmem>>, %arg7: memref<16x2048xf32, #tpu.memory_space<vmem>>, %arg8: memref<16x2048xf32, #tpu.memory_space<vmem>>) attributes {dimension_semantics = [#tpu.dimension_semantics<arbitrary>], iteration_bounds = array<i64: 4>, scalar_prefetch = 0 : i64, scratch_operands = 0 : i64, tpu.core_type = #tpu.core_type<tc>, window_params = [{transform_indices = @transform_0, window_bounds = array<i64: 2048, 384>}, {transform_indices = @transform_1, window_bounds = array<i64: 2048, 384>}, {pipeline_mode = #tpu.pipeline_mode<synchronous>, transform_indices = @transform_2, window_bounds = array<i64: 16, 768>}, {pipeline_mode = #tpu.pipeline_mode<synchronous>, transform_indices = @transform_3, window_bounds = array<i64: 16>}, {pipeline_mode = #tpu.pipeline_mode<synchronous>, transform_indices = @transform_4, window_bounds = array<i64: 16, 768>}, {pipeline_mode = #tpu.pipeline_mode<synchronous>, transform_indices = @transform_5, window_bounds = array<i64: 16>}, {transform_indices = @transform_6, window_bounds = array<i64: 16, 2048>}, {transform_indices = @transform_7, window_bounds = array<i64: 16, 2048>}]} {
    %get3A = arith.constant 0 : index
    %get3A_0 = arith.constant 0 : index
    %get3A_1 = vector.load %arg1[%get3A, %get3A_0] : memref<2048x384xf32, #tpu.memory_space<vmem>>, vector<2048x384xf32>
    %get3A_2 = arith.constant 0 : index
    %get3A_3 = arith.constant 0 : index
    %get3A_4 = vector.load %arg2[%get3A_2, %get3A_3] : memref<2048x384xf32, #tpu.memory_space<vmem>>, vector<2048x384xf32>
    %get3A_5 = arith.constant 0 : index
    %get3A_6 = arith.constant 0 : index
    %get3A_7 = vector.load %arg3[%get3A_5, %get3A_6] : memref<16x768xf32, #tpu.memory_space<vmem>>, vector<16x384xf32>
    %dot_general3A = arith.constant dense<0.000000e+00> : vector<16x2048xf32>
    %dot_general3A_8 = tpu.matmul %get3A_7, %get3A_1, %dot_general3A {dimension_numbers = #tpu.dot_dimension_numbers<[1], [1], [0], [0], [0, 0, 1, 0], [], []>, transpose_lhs_hint = false} : vector<16x384xf32>, vector<2048x384xf32>, vector<16x2048xf32> -> vector<16x2048xf32>
    %get3A_9 = arith.constant 0 : index
    %get3A_10 = arith.constant 384 : index
    %get3A_11 = vector.load %arg3[%get3A_9, %get3A_10] : memref<16x768xf32, #tpu.memory_space<vmem>>, vector<16x384xf32>
    %dot_general3A_12 = arith.constant dense<0.000000e+00> : vector<16x2048xf32>
    %dot_general3A_13 = tpu.matmul %get3A_11, %get3A_4, %dot_general3A_12 {dimension_numbers = #tpu.dot_dimension_numbers<[1], [1], [0], [0], [0, 0, 1, 0], [], []>, transpose_lhs_hint = false} : vector<16x384xf32>, vector<2048x384xf32>, vector<16x2048xf32> -> vector<16x2048xf32>
    %add3A = arith.addf %dot_general3A_8, %dot_general3A_13 : vector<16x2048xf32>
    %get3A_14 = arith.constant 0 : index
    %get3A_15 = vector.load %arg4[%get3A_14] : memref<16xf32, #tpu.memory_space<vmem>>, vector<16xf32>
    %broadcast_in_dim3A = vector.shape_cast %get3A_15 : vector<16xf32> to vector<16x1xf32>
    %add3A_16 = vector.broadcast %broadcast_in_dim3A : vector<16x1xf32> to vector<16x2048xf32>
    %add3A_17 = arith.addf %add3A, %add3A_16 : vector<16x2048xf32>
    %get3A_18 = arith.constant 0 : index
    %get3A_19 = arith.constant 0 : index
    %get3A_20 = vector.load %arg5[%get3A_18, %get3A_19] : memref<16x768xf32, #tpu.memory_space<vmem>>, vector<16x384xf32>
    %dot_general3A_21 = arith.constant dense<0.000000e+00> : vector<16x2048xf32>
    %dot_general3A_22 = tpu.matmul %get3A_20, %get3A_1, %dot_general3A_21 {dimension_numbers = #tpu.dot_dimension_numbers<[1], [1], [0], [0], [0, 0, 1, 0], [], []>, transpose_lhs_hint = false} : vector<16x384xf32>, vector<2048x384xf32>, vector<16x2048xf32> -> vector<16x2048xf32>
    %get3A_23 = arith.constant 0 : index
    %get3A_24 = arith.constant 384 : index
    %get3A_25 = vector.load %arg5[%get3A_23, %get3A_24] : memref<16x768xf32, #tpu.memory_space<vmem>>, vector<16x384xf32>
    %dot_general3A_26 = arith.constant dense<0.000000e+00> : vector<16x2048xf32>
    %dot_general3A_27 = tpu.matmul %get3A_25, %get3A_4, %dot_general3A_26 {dimension_numbers = #tpu.dot_dimension_numbers<[1], [1], [0], [0], [0, 0, 1, 0], [], []>, transpose_lhs_hint = false} : vector<16x384xf32>, vector<2048x384xf32>, vector<16x2048xf32> -> vector<16x2048xf32>
    %add3A_28 = arith.addf %dot_general3A_22, %dot_general3A_27 : vector<16x2048xf32>
    %get3A_29 = arith.constant 0 : index
    %get3A_30 = vector.load %arg6[%get3A_29] : memref<16xf32, #tpu.memory_space<vmem>>, vector<16xf32>
    %broadcast_in_dim3A_31 = vector.shape_cast %get3A_30 : vector<16xf32> to vector<16x1xf32>
    %add3A_32 = vector.broadcast %broadcast_in_dim3A_31 : vector<16x1xf32> to vector<16x2048xf32>
    %add3A_33 = arith.addf %add3A_28, %add3A_32 : vector<16x2048xf32>
    %max3A = arith.constant 0.000000e+00 : f32
    %max3A_34 = vector.broadcast %max3A : f32 to vector<16x2048xf32>
    %max3A_35 = arith.maximumf %add3A_33, %max3A_34 : vector<16x2048xf32>
    %abs3A = math.absf %add3A_33 : vector<16x2048xf32>
    %neg3A = arith.constant 0.000000e+00 : f32
    %neg3A_36 = vector.broadcast %neg3A : f32 to vector<16x2048xf32>
    %neg3A_37 = arith.subf %neg3A_36, %abs3A : vector<16x2048xf32>
    %exp3A = math.exp %neg3A_37 : vector<16x2048xf32>
    %log1p3A = math.log1p %exp3A : vector<16x2048xf32>
    %add3A_38 = arith.addf %max3A_35, %log1p3A : vector<16x2048xf32>
    %get3A_39 = arith.constant 0 : index
    %get3A_40 = arith.constant 0 : index
    %get3A_41 = vector.load %arg7[%get3A_39, %get3A_40] : memref<16x2048xf32, #tpu.memory_space<vmem>>, vector<16x2048xf32>
    %mul3A = arith.mulf %get3A_41, %add3A_38 : vector<16x2048xf32>
    %add3A_42 = arith.addf %add3A_17, %mul3A : vector<16x2048xf32>
    %swap3A = arith.constant 0 : index
    %swap3A_43 = arith.constant 0 : index
    %swap3A_44 = vector.load %arg8[%swap3A, %swap3A_43] : memref<16x2048xf32, #tpu.memory_space<vmem>>, vector<16x2048xf32>
    tpu.vector_store %arg8[%swap3A, %swap3A_43], %add3A_42 {strides = array<i32>} : memref<16x2048xf32, #tpu.memory_space<vmem>>, vector<16x2048xf32>,
    return
  }
  func.func @transform_0(%arg0: i32) -> (i32, i32) {
    %c0_i32 = arith.constant 0 : i32
    %c0_i32_0 = arith.constant 0 : i32
    return %arg0, %c0_i32 : i32, i32
  }
  func.func @transform_1(%arg0: i32) -> (i32, i32) {
    %c1_i32 = arith.constant 1 : i32
    %c0_i32 = arith.constant 0 : i32
    return %arg0, %c1_i32 : i32, i32
  }
  func.func @transform_2(%arg0: i32) -> (i32, i32) {
    %c0_i32 = arith.constant 0 : i32
    %c0_i32_0 = arith.constant 0 : i32
    %c0_i32_1 = arith.constant 0 : i32
    return %c0_i32, %c0_i32_0 : i32, i32
  }
  func.func @transform_3(%arg0: i32) -> i32 {
    %c0_i32 = arith.constant 0 : i32
    %c0_i32_0 = arith.constant 0 : i32
    return %c0_i32 : i32
  }
  func.func @transform_4(%arg0: i32) -> (i32, i32) {
    %c0_i32 = arith.constant 0 : i32
    %c0_i32_0 = arith.constant 0 : i32
    %c0_i32_1 = arith.constant 0 : i32
    return %c0_i32, %c0_i32_0 : i32, i32
  }
  func.func @transform_5(%arg0: i32) -> i32 {
    %c0_i32 = arith.constant 0 : i32
    %c0_i32_0 = arith.constant 0 : i32
    return %c0_i32 : i32
  }
  func.func @transform_6(%arg0: i32) -> (i32, i32) {
    %c0_i32 = arith.constant 0 : i32
    %c0_i32_0 = arith.constant 0 : i32
    return %c0_i32, %arg0 : i32, i32
  }
  func.func @transform_7(%arg0: i32) -> (i32, i32) {
    %c0_i32 = arith.constant 0 : i32
    %c0_i32_0 = arith.constant 0 : i32
    return %c0_i32, %arg0 : i32, i32
  }
}

</mosaic_0001>

<sc_bundles>
// kernel: kernel.4.cloned.1.call-start
scs
__scs_entry_jumppad:
0x0: {  	(pc) =	sbr.rel $0x88, $3  }
0x1: {  	(tag) =	ssettag $0x0;
	lr =	simm.s32 $0x1  }
0x2: {  	[smem:$0x3F9B] =	sst lr;
	_ =	strace $0xD0000000  }
0x3: {  	_ = 	snop  }
0x4: {  	_ = 	snop  }
0x5: {  	_ = 	snop  }
0x6: {  	_ = 	snop  }
0x7: {  	_ = 	snop  }
__scs_overlays_trampoline_lowered:
0x8: {  	[smem:$0x3FAA] =	sst s0  }
0x9: {  	[smem:$0x3FAB] =	sst s1  }
0xa: {  	[smem:$0x3FAC] =	sst s2  }
0xb: {  	[smem:$0x3FAD] =	sst s3  }
0xc: {  	[smem:$0x3FAE] =	sst s4  }
0xd: {  	[smem:$0x3FAF] =	sst s5  }
0xe: {  	[smem:$0x3FB0] =	sst s6  }
0xf: {  	[smem:$0x3FB1] =	sst s7  }
0x10: {  	[smem:$0x3FB2] =	sst s8  }
0x11: {  	[smem:$0x3FB3] =	sst s9;
	s0 =	simm.s32 @!p0 $0x0  }
0x12: {  	s1 =	sld [smem:$0x3F99];
	s0 =	simm.s32 @p0 $0x1  }
0x13: {  	[smem:$0x3FB4] =	sst s0;
	s0 =	simm.s32 @!p1 $0x0  }
0x14: {  	s2 =	sld [smem:$0x3F98];
	s0 =	simm.s32 @p1 $0x1  }
0x15: {  	[smem:$0x3FB5] =	sst s0;
	s0 =	simm.s32 @!p2 $0x0  }
0x16: {  	s3 =	sld [smem:$0x3FDB];
	s0 =	simm.s32 @p2 $0x1  }
0x17: {  	s4 =	simm.s32 $0x1BF5;
	[smem:$0x3FB7] =	sst s0  }
0x18: {  	s0 =	sld [smem:$0x3F9A];
	_ =	swait.ge [sflag:s4], $0x0  }
0x19: {  	s7 =	sld [smem:$0x3F9B]  }
0x1a: {  	s8 =	sadd.s32 $0xFFFFE003, lr  }
0x1b: {  	s9 =	sadd.s32 $0xFFFFFEF7, lr;
	s5 =	simm.s32 $0xFFFFFFFF;
	p2 =	slt.u32 s8, $0xFFFFF086  }
0x1c: {  	p1 =	slt.u32 s9, $0xF7A;
	s5 =	simm.s32 @!p2 $0x0  }
0x1d: {  	s5 =	simm.s32 @p1 $0x1;
	p0 =	seq.s32 s7, s2  }
0x1e: {  	s7 =	smul.u32 @!p0 $0xF7A, s2;
	p2 =	seq.s32 @!p0 s5, $0x0  }
0x1f: {  	s9 =	smul.u32 $0xF7A, s1;
	s8 =	simm.s32 @!p0 $0x1BF5;
	p2 =	por !p2, p0  }
0x20: {  	[sflag:s8] =	ssyncset.s32 @!p0 $0xFFFFF086;
	s6 =	sadd.s32 @!p0 s3, s7;
	s7 =	simm.s32 @!p0 $0x108  }
0x21: {  	s3 =	sadd.s32 s3, s9;
	s6 =	sadd.s32 @!p0 $0x88, s6;
	s7 =	simm.s32 @p2 $0x1082  }
0x22: {  	[simem:s7], [sflag:s8] =	dma.local @!p0 [hbm:s6], $0xF7A  }
0x23: {  	s9 =	sor.u32 $0xD0000000, s2;
	s6 =	simm.s32 $0x108;
	_ =	swait.ge @!p0 [sflag:s8], $0x0  }
0x24: {  	s3 =	sadd.s32 $0x88, s3;
	s6 =	simm.s32 @!p1 $0x1082;
	[sflag:s4] =	ssyncset.s32 $0xFFFFF086  }
0x25: {  	[simem:s6], [sflag:s4] =	dma.local [hbm:s3], $0xF7A  }
0x26: {  	[smem:$0x3F9B] =	sst s1;
	(tag) =	ssettag s2;
	_ =	strace s9  }
0x27: {  	s1 =	sld [smem:$0x3FAB]  }
0x28: {  	s2 =	sld [smem:$0x3FAC]  }
0x29: {  	s4 =	sld [smem:$0x3FAE]  }
0x2a: {  	p0 =	seq.s32 s5, $0x0;
	s5 =	sld [smem:$0x3FAF]  }
0x2b: {  	s6 =	sld [smem:$0x3FB0]  }
0x2c: {  	s7 =	sld [smem:$0x3FB1]  }
0x2d: {  	s3 =	simm.s32 $0x108;
	s8 =	sld [smem:$0x3FB2]  }
0x2e: {  	s3 =	simm.s32 @!p0 $0x1082;
	s9 =	sld [smem:$0x3FB3]  }
0x2f: {  	lr =	sadd.s32 s0, s3;
	s0 =	sld [smem:$0x3FAA]  }
0x30: {  	s3 =	sld [smem:$0x3FAD]  }
0x31: {  	[smem:$0x3FB6] =	sst s10  }
0x32: {  	s10 =	sld [smem:$0x3FB4];
	_ =	sdelay $0x3  }
0x33: {  	p0 =	seq.s32 s10, $0x1;
	s10 =	sld [smem:$0x3FB6];
	_ =	sdelay $0x3  }
0x34: {  	[smem:$0x3FB6] =	sst s10  }
0x35: {  	s10 =	sld [smem:$0x3FB5];
	_ =	sdelay $0x3  }
0x36: {  	p1 =	seq.s32 s10, $0x1;
	s10 =	sld [smem:$0x3FB6];
	_ =	sdelay $0x3  }
0x37: {  	[smem:$0x3FB6] =	sst s10  }
0x38: {  	s10 =	sld [smem:$0x3FB7]  }
0x39: {  	_ = 	snop;
	(pc) =	sbr.ind lr, $3  }
0x3a: {  	_ = 	snop  }
0x3b: {  	_ = 	snop  }
0x3c: {  	p2 =	seq.s32 s10, $0x1;
	s10 =	sld [smem:$0x3FB6]  }
0x3d: {  	_ =	shalt  }
0x3e: {  	_ =	shalt  }
0x3f: {  	_ =	shalt  }
0x40: {  	_ =	shalt  }
0x41: {  	_ =	shalt  }
0x42: {  	_ =	shalt  }
0x43: {  	_ =	shalt  }
0x44: {  	_ =	shalt  }
0x45: {  	_ =	shalt  }
0x46: {  	_ =	shalt  }
0x47: {  	_ =	shalt  }
0x48: {  	_ =	shalt  }
0x49: {  	_ =	shalt  }
0x4a: {  	_ =	shalt  }
0x4b: {  	_ =	shalt  }
0x4c: {  	_ =	shalt  }
0x4d: {  	_ =	shalt  }
0x4e: {  	_ =	shalt  }
0x4f: {  	_ =	shalt  }
0x50: {  	_ =	shalt  }
0x51: {  	_ =	shalt  }
0x52: {  	_ =	shalt  }
0x53: {  	_ =	shalt  }
0x54: {  	_ =	shalt  }
0x55: {  	_ =	shalt  }
0x56: {  	_ =	shalt  }
0x57: {  	_ =	shalt  }
0x58: {  	_ =	shalt  }
0x59: {  	_ =	shalt  }
0x5a: {  	_ =	shalt  }
0x5b: {  	_ =	shalt  }
0x5c: {  	_ =	shalt  }
0x5d: {  	_ =	shalt  }
0x5e: {  	_ =	shalt  }
0x5f: {  	_ =	shalt  }
0x60: {  	_ =	shalt  }
0x61: {  	_ =	shalt  }
0x62: {  	_ =	shalt  }
0x63: {  	_ =	shalt  }
0x64: {  	_ =	shalt  }
0x65: {  	_ =	shalt  }
0x66: {  	_ =	shalt  }
0x67: {  	_ =	shalt  }
0x68: {  	_ =	shalt  }
0x69: {  	_ =	shalt  }
0x6a: {  	_ =	shalt  }
0x6b: {  	_ =	shalt  }
0x6c: {  	_ =	shalt  }
0x6d: {  	_ =	shalt  }
0x6e: {  	_ =	shalt  }
0x6f: {  	_ =	shalt  }
0x70: {  	_ =	shalt  }
0x71: {  	_ =	shalt  }
0x72: {  	_ =	shalt  }
0x73: {  	_ =	shalt  }
0x74: {  	_ =	shalt  }
0x75: {  	_ =	shalt  }
0x76: {  	_ =	shalt  }
0x77: {  	_ =	shalt  }
0x78: {  	_ =	shalt  }
0x79: {  	_ =	shalt  }
0x7a: {  	_ =	shalt  }
0x7b: {  	_ =	shalt  }
0x7c: {  	_ =	shalt  }
0x7d: {  	_ =	shalt  }
0x7e: {  	_ =	shalt  }
0x7f: {  	_ =	shalt  }
0x80: {  	_ =	shalt  }
0x81: {  	_ =	shalt  }
0x82: {  	_ =	shalt  }
0x83: {  	_ =	shalt  }
0x84: {  	_ =	shalt  }
0x85: {  	_ =	shalt  }
0x86: {  	_ =	shalt  }
0x87: {  	_ =	shalt  }
.Lfunc_end0:
.L_simem_size_0:
called_computation_lowered:
.L_overlay_start_0:
0x88: {  	s2 =	sld [smem:$0x3FD9]  }
0x89: {  	s3 =	sld [smem:$0x3FFE];
	_ =	sdelay $0x1  }
0x8a: {  	s1 =	srdreg.scid  }
0x8b: {  	s0 =	sand.u32 $0x1, s1  }
0x8c: {  	s14 =	sshll.u32 s0, $0xA;
	s2 =	sadd.s32 s3, s2  }
0x8d: {  	s2 =	sadd.s32 s2, s14  }
0x8e: {  	[smem:$0x3FC2] =	sst s2  }
0x8f: {  	_ = 	snop  }
0x90: {  	s2 =	sld [smem:$0x3FD0];
	_ =	sdelay $0x2  }
0x91: {  	s15 =	simm.s32 $0xA;
	s4 =	simm.s32 $0x10  }
0x92: {  	[smem:s4], [sflag:s15] =	dma.local [hbm:s2], $0x1  }
0x93: {  	_ =	swait.eq [sflag:s15], $0x1  }
0x94: {  	[sflag:s15] =	ssyncset.done $0x0  }
0x95: {  	s16 =	sld [smem:$0x10];
	[sflag:s15] =	ssyncadd.s32 $0xFFFFFFFF  }
0x96: {  	s17 =	sld [smem:$0x11];
	(tm) =	ssettm $0x1  }
0x97: {  	s18 =	sld [smem:$0x3FFB];
	_ =	sdelay $0x3  }
0x98: {  	_ =	strace s18  }
0x99: {  	s4 =	sld [smem:$0x3FFC];
	_ =	sdelay $0x3  }
0x9a: {  	_ =	strace s4  }
0x9b: {  	s4 =	sld [smem:$0x3FFD];
	_ =	sdelay $0x3  }
0x9c: {  	_ =	strace s4  }
0x9d: {  	_ =	strace $0x8FFFFFFF  }
0x9e: {  	s19 =	sld [smem:$0x3FDB];
	_ =	sdelay $0x1  }
0x9f: {  	s5 =	simm.s32 $_scs_section_size  }
0xa0: {  	s6 =	simm.s32 $_size__tile_overlayer_lowered;
	s7 =	simm.s32 $_tile_overlayer_lowered  }
0xa1: {  	s22 =	simm.s32 $0x1BFF;
	s21 =	sshll.u32 s7, $0x1;
	s4 =	sadd.s32 s5, s19  }
0xa2: {  	s8 =	simm.s32 $0x0;
	s20 =	sshll.u32 s6, $0x1;
	s6 =	sadd.s32 s21, s4  }
0xa3: {  	[timem:s8], [sflag:s22] =	dma.local [hbm:s6], s20  }
0xa4: {  	_ =	swait.ge [sflag:s22], s20  }
0xa5: {  	s5 =	ssub.s32 $0x0, s20;
	[sflag:s22] =	ssyncset.done $0x0  }
0xa6: {  	[sflag:s22] =	ssyncadd.s32 s5;
	_ =	sdelay $0x1  }
0xa7: {  	s23 =	simm.s32 $0x1B8B  }
0xa8: {  	_ =	swait.ge [sflag:s23], $0x1  }
0xa9: {  	[sflag:s23] =	ssyncset.done $0x0  }
0xaa: {  	s25 =	simm.s32 $0x1B8E;
	s24 =	sld [smem:$0x3FFE];
	[sflag:s23] =	ssyncadd.s32 $0xFFFFFFFF  }
0xab: {  	s26 =	simm.s32 $execute0_lowered;
	[smem:$0x3FD2] =	sst s25  }
0xac: {  	s6 =	sshll.u32 s26, $0x1;
	_ =	strace $0x80000046;
	[dreg:$0x1] =	wrdreg $0xFFFFFFFF  }
0xad: {  	s28 =	simm.s32 $_size_execute0_lowered;
	s4 =	sadd.s32 s4, s6;
	[dreg:$0x0] =	wrdreg $0x0  }
0xae: {  	s6 =	sshll.u32 s28, $0x1;
	[dreg:$0x2] =	wrdreg s4  }
0xaf: {  	[dreg:$0x3] =	wrdreg s6  }
0xb0: {  	[dreg:$0x4] =	wrdreg $0xC0  }
0xb1: {  	_ =	task [dreg:s8], $0x5FFFF  }
0xb2: {  	[dreg:$0x1] =	wrdreg $0xFFFFFFFF  }
0xb3: {  	[dreg:$0x0] =	wrdreg $0x60  }
0xb4: {  	[dreg:$0x2] =	wrdreg s24  }
0xb5: {  	[dreg:$0x3] =	wrdreg s16  }
0xb6: {  	[dreg:$0x4] =	wrdreg s17  }
0xb7: {  	[dreg:$0x5] =	wrdreg $0x9  }
0xb8: {  	_ =	task.clear_ibuf [dreg:s8], $0x6FFFF;
	_ =	strace $0x90000046  }
0xb9: {  	s29 =	simm.s32 $0x9;
	_ =	strace $0x80000048  }
0xba: {  	_ =	swait.ge [sflag:s29], $0x1  }
0xbb: {  	[sflag:s29] =	ssyncadd.s32 $0xFFFFFFFF  }
0xbc: {  	_ =	strace $0x90000048  }
0xbd: {  	_ =	sfence  }
0xbe: {  	s30 =	sld [smem:$0x0];
	_ =	sdelay $0x2  }
0xbf: {  	s31 =	sshll.u32 s1, $0xD;
	s1 =	sshrl.u32 s1, $0x2  }
0xc0: {  	s3 =	sand.u32 $0x4000, s31;
	s1 =	sadd.s32 s1, s30  }
0xc1: {  	s0 =	sor.u32 s3, s0;
	s1 =	sshll.u32 s1, $0x11  }
0xc2: {  	s0 =	sor.u32 s1, s0  }
0xc3: {  	s0 =	sadd.s32 $0x8F2B, s0  }
0xc4: {  	[sflag:s0] =	ssyncadd.remote.s32 $0x1  }
0xc5: {  	_ =	sfence.sel $0xFFFF  }
0xc6: {  	[dreg:$0x0] =	wrdreg $0xFFFFFFFF;
	(pc) =	sbr.abs _section_cstart, $3  }
0xc7: {  	[dreg:$0x1] =	wrdreg $0xFFFFFFFF  }
0xc8: {  	_ =	task.clear_ibuf [dreg:s8], $0x2FFFF;
	_ =	strace $0x9FFFFFFF  }
0xc9: {  	(tm) =	ssettm $0x7FFFFFFF  }
tec
execute0_lowered:
.L_overlay_start_1:
0x0: {  	(tag) =	ssettag $0x1  }
0x1: {  	s3 =	rddreg [dreg:$0x0]  }
0x2: {  	s4 =	rddreg [dreg:$0x1]  }
0x3: {  	s5 =	rddreg [dreg:$0x2];
	s2 =	srdreg.scid  }
0x4: {  	s0 =	rddreg [dreg:$0x3];
	s1 =	stileid.u32;
	s9 =	simm.s32 $0x1  }
0x5: {  	s10 =	simm.s32 $0x1000;
	s11 =	simm.s32 $0x2000;
	s12 =	simm.s32 $0x0  }
0x6: {  	s6 =	sand.u32 $0x1, s2;
	s2 =	simm.s32 $0x0;
	s7 =	sshll.u32 s1, $0x9  }
0x7: {  	s8 =	sshll.u32 s6, $0x8;
	[smem:$0x7FF] =	sst s2;
	s6 =	ssub.s32 $0x2, s6  }
0x8: {  	s7 =	sor.u32 s8, s7;
	_ =	strace $0x80000047;
	s30 =	sshrl.u32 s6, $0x1  }
0x9: {  	s8 =	simm.s32 $0x10000;
	s3 =	sadd.s32 s7, s3;
	s6 =	ssub.s32 s6, s30  }
0xa: {  	s31 =	sshrl.u32 s7, $0x2;
	s4 =	sadd.s32 s4, s7;
	s7 =	simm.s32 $0x800  }
0xb: {  	v0 =	vimm.s32 $0x10;
	v1 =	vimm.s32 $0x0;
	s3 =	sadd.s32 $0x1400, s3;
	s5 =	sadd.s32 s5, s31;
	s6 =	smax.u32 s6, $0x1  }
.LBB2_1:
0xc: {  	[tilespmem:s2], [sflag:$0x1] =	stream.strided.gather [hbm4b:s3+s7], $0x1000, s8, s7, $0x38;
	[tilespmem:$0x2200] =	vst v63  }
0xd: {  	s13 =	sand.u32 $0xFFFFFC00, s2;
	_ =	swait.ge [sflag:s9], $0x1000  }
0xe: {  	s23 =	sadd.s32 $0x0, s13;
	[sflag:s9] =	ssyncset.done $0x0  }
0xf: {  	s13 =	sor.u32 $0x80, s23;
	[sflag:s9] =	ssyncadd.s32 $0xFFFFF000  }
0x10: {  	s15 =	sand.u32 $0x70, s2;
	s16 =	sand.u32 $0x7FFFFC00, s2;
	v2 =	vld [tilespmem:s13+$0x0]  }
0x11: {  	s17 =	sor.u32 s15, s16  }
0x12: {  	v3 =	vld [tilespmem:s17+$0x0];
	_ =	sdelay $0x1  }
0x13: {  	v4 =	vld [tilespmem:s17+$0x100]  }
0x14: {  	vm0 =	vlt.f32 v2, $-Inf;
	vm1 =	vgt.f32 v2, $-Inf  }
0x15: {  	vm13 =	vmor vm1, vm0  }
0x16: {  	s14 =	sor.u32 $0x180, s23;
	vm8 =	vgt.f32 v2, v3;
	v6 =	vnsel vm13, $0xFF800000, v2  }
0x17: {  	v5 =	vld [tilespmem:s14+$0x0];
	v6 =	vsel vm8, v3, v6  }
0x18: {  	v2 =	vsel vm8, v2, v3;
	v3 =	vimm.s32 $0x0;
	vm7 =	vgt.f32 v4, v6  }
0x19: {  	v3 =	vsel vm7, $0xFFFFFFFF, v3  }
0x1a: {  	vm10 =	vgt.f32 v4, v2;
	v6 =	vsel vm7, v4, v6;
	[tilespmem:$0x1FF30] =	vst v3;
	v3 =	vld [tilespmem:s17+$0x200]  }
0x1b: {  	v6 =	vsel vm10, v2, v6  }
0x1c: {  	v2 =	vsel vm10, v4, v2;
	v4 =	vimm.s32 $0x0;
	vm11 =	vgt.f32 v5, v6  }
0x1d: {  	s18 =	sor.u32 $0x280, s23;
	vm7 =	vgt.f32 v5, v2;
	v4 =	vsel vm11, $0xFFFFFFFF, v4;
	v6 =	vsel vm11, v5, v6  }
0x1e: {  	[tilespmem:$0x1FF40] =	vst v4;
	v4 =	vld [tilespmem:s18+$0x0];
	v6 =	vsel vm7, v2, v6  }
0x1f: {  	v2 =	vsel vm7, v5, v2;
	v5 =	vimm.s32 $0x0;
	vm12 =	vgt.f32 v3, v6  }
0x20: {  	v5 =	vsel vm12, $0xFFFFFFFF, v5  }
0x21: {  	vm6 =	vgt.f32 v3, v2;
	v6 =	vsel vm12, v3, v6;
	[tilespmem:$0x1FF50] =	vst v5;
	v5 =	vld [tilespmem:s17+$0x300]  }
0x22: {  	v6 =	vsel vm6, v2, v6  }
0x23: {  	v2 =	vsel vm6, v3, v2;
	v3 =	vimm.s32 $0x0;
	vm14 =	vgt.f32 v4, v6  }
0x24: {  	s19 =	sor.u32 $0x380, s23;
	vm9 =	vgt.f32 v4, v2;
	v3 =	vsel vm14, $0xFFFFFFFF, v3;
	v6 =	vsel vm14, v4, v6  }
0x25: {  	[tilespmem:$0x1FF60] =	vst v3;
	v3 =	vld [tilespmem:s19+$0x0];
	v6 =	vsel vm9, v2, v6  }
0x26: {  	v2 =	vsel vm9, v4, v2;
	v4 =	vimm.s32 $0x0;
	vm15 =	vgt.f32 v5, v6  }
0x27: {  	s20 =	sor.u32 $0x800, s17;
	v4 =	vsel vm15, $0xFFFFFFFF, v4  }
0x28: {  	vm11 =	vgt.f32 v5, v2;
	v6 =	vsel vm15, v5, v6;
	[tilespmem:$0x1FF70] =	vst v4;
	v4 =	vld [tilespmem:s20+$0x0]  }
0x29: {  	v6 =	vsel vm11, v2, v6  }
0x2a: {  	v2 =	vsel vm11, v5, v2;
	v5 =	vimm.s32 $0x0;
	vm4 =	vgt.f32 v3, v6  }
0x2b: {  	s29 =	sor.u32 $0x880, s23;
	vm12 =	vgt.f32 v3, v2;
	v5 =	vsel vm4, $0xFFFFFFFF, v5;
	v6 =	vsel vm4, v3, v6  }
0x2c: {  	[tilespmem:$0x1FF80] =	vst v5;
	v5 =	vld [tilespmem:s29+$0x0];
	v6 =	vsel vm12, v2, v6  }
0x2d: {  	v2 =	vsel vm12, v3, v2;
	v3 =	vimm.s32 $0x0;
	vm5 =	vgt.f32 v4, v6  }
0x2e: {  	s21 =	sor.u32 $0x900, s17;
	v3 =	vsel vm5, $0xFFFFFFFF, v3  }
0x2f: {  	vm14 =	vgt.f32 v4, v2;
	v6 =	vsel vm5, v4, v6;
	[tilespmem:$0x1FF90] =	vst v3;
	v3 =	vld [tilespmem:s21+$0x0]  }
0x30: {  	v6 =	vsel vm14, v2, v6  }
0x31: {  	v2 =	vsel vm14, v4, v2;
	v4 =	vimm.s32 $0x0;
	vm15 =	vgt.f32 v5, v6  }
0x32: {  	s30 =	sor.u32 $0x980, s23;
	vm5 =	vgt.f32 v5, v2;
	v4 =	vsel vm15, $0xFFFFFFFF, v4;
	v6 =	vsel vm15, v5, v6  }
0x33: {  	[tilespmem:$0x1FFA0] =	vst v4;
	v4 =	vld [tilespmem:s30+$0x0];
	v6 =	vsel vm5, v2, v6  }
0x34: {  	v2 =	vsel vm5, v5, v2;
	v5 =	vimm.s32 $0x0;
	vm4 =	vgt.f32 v3, v6  }
0x35: {  	s22 =	sor.u32 $0xA00, s17;
	v5 =	vsel vm4, $0xFFFFFFFF, v5  }
0x36: {  	v6 =	vsel vm4, v3, v6;
	vm4 =	vgt.f32 v3, v2;
	[tilespmem:$0x1FFB0] =	vst v5;
	v5 =	vld [tilespmem:s22+$0x0]  }
0x37: {  	v6 =	vsel vm4, v2, v6  }
0x38: {  	v2 =	vsel vm4, v3, v2;
	v3 =	vimm.s32 $0x0;
	vm15 =	vgt.f32 v4, v6  }
0x39: {  	s31 =	sor.u32 $0xA80, s23;
	vm3 =	vgt.f32 v4, v2;
	v3 =	vsel vm15, $0xFFFFFFFF, v3;
	v6 =	vsel vm15, v4, v6  }
0x3a: {  	[tilespmem:$0x1FFC0] =	vst v3;
	v3 =	vld [tilespmem:s31+$0x0];
	v6 =	vsel vm3, v2, v6  }
0x3b: {  	v2 =	vsel vm3, v4, v2;
	v4 =	vimm.s32 $0x0;
	vm15 =	vgt.f32 v5, v6  }
0x3c: {  	s24 =	sor.u32 $0xB00, s17;
	v4 =	vsel vm15, $0xFFFFFFFF, v4  }
0x3d: {  	vm2 =	vgt.f32 v5, v2;
	v6 =	vsel vm15, v5, v6;
	[tilespmem:$0x1FFD0] =	vst v4;
	v4 =	vld [tilespmem:s24+$0x0]  }
0x3e: {  	v6 =	vsel vm2, v2, v6  }
0x3f: {  	v2 =	vsel vm2, v5, v2;
	v5 =	vimm.s32 $0x0;
	vm15 =	vgt.f32 v3, v6  }
0x40: {  	s23 =	sor.u32 $0xB80, s23;
	v7 =	vld [tilespmem:$0x1FF30];
	vm1 =	vgt.f32 v3, v2;
	v5 =	vsel vm15, $0xFFFFFFFF, v5;
	v6 =	vsel vm15, v3, v6  }
0x41: {  	[tilespmem:$0x1FFE0] =	vst v5;
	v5 =	vld [tilespmem:s23+$0x0];
	v6 =	vsel vm1, v2, v6  }
0x42: {  	v2 =	vsel vm1, v3, v2;
	v3 =	vimm.s32 $0x0;
	vm15 =	vgt.f32 v4, v6  }
0x43: {  	v3 =	vsel vm15, $0xFFFFFFFF, v3  }
0x44: {  	v52 =	vsel vm13, $0x1, v0;
	vm0 =	vgt.f32 v4, v2;
	[tilespmem:$0x1FFF0] =	vst v3;
	v3 =	vsel vm15, v4, v6  }
0x45: {  	v6 =	vsel vm8, $0x0, v52;
	v3 =	vsel vm0, v2, v3  }
0x46: {  	vm15 =	vnez.u8 v7;
	v2 =	vsel vm0, v4, v2;
	vm13 =	vgt.f32 v5, v3  }
0x47: {  	v4 =	vsel vm8, $0x1, v1;
	vm8 =	vgt.f32 v5, v2;
	v3 =	vsel vm13, v5, v3  }
0x48: {  	v6 =	vsel vm15, $0x2, v6;
	v3 =	vsel vm8, v2, v3;
	v2 =	vsel vm8, v5, v2  }
0x49: {  	v5 =	vsel vm10, v4, v6;
	v2 =	vsub.f32 v3, v2;
	v3 =	vsel vm10, $0x2, v4;
	v4 =	vld [tilespmem:$0x1FF40];
	_ =	sdelay $0x4  }
0x4a: {  	vm15 =	vnez.u8 v4  }
0x4b: {  	v4 =	vsel vm15, $0x3, v5;
	v5 =	vld [tilespmem:$0x1FF50];
	_ =	sdelay $0x4  }
0x4c: {  	v2 =	vmul.f32 $1.442695020e+00, v2;
	v4 =	vsel vm7, v3, v4;
	vm15 =	vnez.u8 v5  }
0x4d: {  	v3 =	vsel vm7, $0x3, v3;
	v4 =	vsel vm15, $0x4, v4  }
0x4e: {  	(erf) = vpow2.f32 v2;
	v2 =	vsel vm6, $0x4, v3;
	v4 =	vsel vm6, v3, v4;
	v3 =	vld [tilespmem:$0x1FF60];
	_ =	sdelay $0x4  }
0x4f: {  	vm10 =	vnez.u8 v3  }
0x50: {  	v3 =	vsel vm10, $0x5, v4;
	v4 =	vld [tilespmem:$0x1FF70];
	_ =	sdelay $0x4  }
0x51: {  	vm15 =	vnez.u8 v4;
	v4 =	vld [tilespmem:$0x1FF80];
	_ =	sdelay $0x4  }
0x52: {  	v3 =	vsel vm9, v2, v3;
	v2 =	vsel vm9, $0x5, v2;
	vm9 =	vnez.u8 v4;
	v4 =	vld [tilespmem:$0x1FF90];
	_ =	sdelay $0x4  }
0x53: {  	vm10 =	vnez.u8 v4;
	v4 =	vld [tilespmem:$0x1FFA0];
	_ =	sdelay $0x3  }
0x54: {  	v3 =	vsel vm15, $0x6, v3  }
0x55: {  	v3 =	vsel vm11, v2, v3;
	v2 =	vsel vm11, $0x6, v2;
	vm11 =	vnez.u8 v4;
	v4 =	vpop (erf)  }
0x56: {  	v4 =	vadd.f32 $1.000000000e+00, v4;
	_ =	sdelay $0x1  }
0x57: {  	(erf) = vrcp.f32 v4;
	v4 =	vld [tilespmem:$0x1FFC0];
	_ =	sdelay $0x1  }
0x58: {  	v3 =	vsel vm9, $0x7, v3  }
0x59: {  	v3 =	vsel vm12, v2, v3  }
0x5a: {  	v2 =	vsel vm12, $0x7, v2;
	v3 =	vsel vm10, $0x8, v3  }
0x5b: {  	v3 =	vsel vm14, v2, v3;
	v2 =	vsel vm14, $0x8, v2;
	vm14 =	vnez.u8 v4;
	v4 =	vld [tilespmem:$0x1FFD0];
	_ =	sdelay $0x1  }
0x5c: {  	v5 =	vld [tilespmem:$0x1FFB0];
	_ =	sdelay $0x2  }
0x5d: {  	vm15 =	vnez.u8 v4;
	v4 =	vld [tilespmem:$0x1FFE0]  }
0x5e: {  	v3 =	vsel vm11, $0x9, v3  }
0x5f: {  	vm12 =	vnez.u8 v5;
	v3 =	vsel vm5, v2, v3  }
0x60: {  	v2 =	vsel vm5, $0x9, v2;
	v3 =	vsel vm12, $0xA, v3  }
0x61: {  	v3 =	vsel vm4, v2, v3  }
0x62: {  	v2 =	vsel vm4, $0xA, v2;
	v3 =	vsel vm14, $0xB, v3;
	vm5 =	vnez.u8 v4;
	v4 =	vld [tilespmem:$0x1FFF0]  }
0x63: {  	v3 =	vsel vm3, v2, v3  }
0x64: {  	v2 =	vsel vm3, $0xB, v2;
	v3 =	vsel vm15, $0xC, v3  }
0x65: {  	v3 =	vsel vm2, v2, v3  }
0x66: {  	v2 =	vsel vm2, $0xC, v2;
	v3 =	vsel vm5, $0xD, v3  }
0x67: {  	v3 =	vsel vm1, v2, v3;
	vm6 =	vnez.u8 v4  }
0x68: {  	v2 =	vsel vm1, $0xD, v2;
	v3 =	vsel vm6, $0xE, v3  }
0x69: {  	v3 =	vsel vm0, v2, v3  }
0x6a: {  	v5 =	vpop (erf);
	v4 =	vsel vm0, $0xE, v2;
	v2 =	vsel vm13, $0xF, v3  }
0x6b: {  	v53 =	vsub.f32 $1.000000000e+00, v5;
	v3 =	vsel vm8, $0xF, v4;
	v2 =	vsel vm8, v4, v2  }
0x6c: {  	vm10 =	veq.s32 v3, $0x0;
	vm12 =	veq.s32 v3, $0x1;
	vm13 =	veq.s32 v3, $0x2  }
0x6d: {  	vm4 =	veq.s32 v3, $0x3;
	vm6 =	veq.s32 v3, $0x4;
	vm7 =	veq.s32 v2, $0x0  }
0x6e: {  	vm9 =	veq.s32 v2, $0x1;
	vm11 =	veq.s32 v2, $0x2;
	vm14 =	veq.s32 v2, $0x3  }
0x6f: {  	vm15 =	veq.s32 v2, $0x4;
	vm5 =	veq.s32 v2, $0x5;
	vm8 =	veq.s32 v2, $0x6  }
0x70: {  	v4 =	vnsel vm7, $0x0, v53;
	v54 =	vnsel vm9, $0x0, v53;
	v8 =	vnsel vm11, $0x0, v53  }
0x71: {  	v9 =	vnsel vm14, $0x0, v53;
	v10 =	vnsel vm15, $0x0, v53;
	v11 =	vnsel vm5, $0x0, v53  }
0x72: {  	vm7 =	veq.s32 v3, $0x5;
	vm9 =	veq.s32 v2, $0x7;
	v4 =	vsel vm10, v5, v4  }
0x73: {  	v55 =	vnsel vm8, $0x0, v53;
	vm11 =	veq.s32 v2, $0x8;
	v7 =	vsel vm12, v5, v54;
	[tilespmem:s17+$0x1000] =	vst v4  }
0x74: {  	vm14 =	veq.s32 v2, $0x9;
	vm15 =	veq.s32 v2, $0xA;
	v8 =	vsel vm13, v5, v8;
	[tilespmem:s13+$0x1000] =	vst v7  }
0x75: {  	vm5 =	veq.s32 v2, $0xB;
	vm8 =	veq.s32 v2, $0xC;
	v9 =	vsel vm4, v5, v9;
	[tilespmem:s17+$0x1100] =	vst v8  }
0x76: {  	v10 =	vsel vm6, v5, v10;
	vm10 =	veq.s32 v3, $0x6;
	v56 =	vnsel vm9, $0x0, v53;
	[tilespmem:s14+$0x1000] =	vst v9  }
0x77: {  	v57 =	vnsel vm11, $0x0, v53;
	vm12 =	veq.s32 v3, $0x7;
	v4 =	vsel vm7, v5, v11;
	[tilespmem:s17+$0x1200] =	vst v10  }
0x78: {  	vm13 =	veq.s32 v3, $0x8;
	v59 =	vnsel vm14, $0x0, v53;
	v7 =	vsel vm10, v5, v55;
	[tilespmem:s18+$0x1000] =	vst v4  }
0x79: {  	vm4 =	veq.s32 v3, $0x9;
	v60 =	vnsel vm5, $0x0, v53;
	v58 =	vsel vm12, v5, v56;
	[tilespmem:s17+$0x1300] =	vst v7  }
0x7a: {  	vm6 =	veq.s32 v3, $0xA;
	vm9 =	veq.s32 v2, $0xD;
	v8 =	vsel vm13, v5, v57;
	[tilespmem:s19+$0x1000] =	vst v58  }
0x7b: {  	v61 =	vnsel vm8, $0x0, v53;
	v10 =	vsel vm4, v5, v59;
	v4 =	vnsel vm15, $0x0, v53;
	[tilespmem:s17+$0x1800] =	vst v8  }
0x7c: {  	vm11 =	veq.s32 v2, $0xE;
	vm7 =	veq.s32 v3, $0xB;
	v4 =	vsel vm6, v5, v4;
	[tilespmem:s29+$0x1000] =	vst v10  }
0x7d: {  	vm14 =	veq.s32 v2, $0xF;
	vm10 =	veq.s32 v3, $0xC;
	v7 =	vsel vm7, v5, v60;
	[tilespmem:s17+$0x1900] =	vst v4  }
0x7e: {  	v62 =	vnsel vm9, $0x0, v53;
	vm12 =	veq.s32 v3, $0xD;
	v8 =	vsel vm10, v5, v61;
	[tilespmem:s30+$0x1000] =	vst v7  }
0x7f: {  	v63 =	vsel vm12, v5, v62;
	vm13 =	veq.s32 v3, $0xE;
	v4 =	vnsel vm11, $0x0, v53;
	[tilespmem:s17+$0x1A00] =	vst v8  }
0x80: {  	v6 =	vnsel vm14, $0x0, v53;
	vm15 =	veq.s32 v3, $0xF;
	v4 =	vsel vm13, v5, v4;
	[tilespmem:s31+$0x1000] =	vst v63  }
0x81: {  	s16 =	sshrl.u32 s16, $0x2;
	s13 =	simm.s32 $0x80;
	s14 =	simm.s32 $0x100;
	v5 =	vsel vm15, v5, v6;
	[tilespmem:s17+$0x1B00] =	vst v4  }
0x82: {  	s18 =	sand.u32 $0xFFFFFC00, s13;
	s17 =	sor.u32 s15, s16;
	s15 =	simm.s32 $0x10;
	[tilespmem:s23+$0x1000] =	vst v5  }
.LBB2_2:
0x83: {  	s26 =	sadd.s32 s18, s15;
	[tilespmem:s17+$0x2000] =	vst v3  }
0x84: {  	[tilespmem:s17+$0x2080] =	vst v2;
	s19 =	sor.u32 $0x80, s26  }
0x85: {  	s16 =	sand.u32 $0x70, s15;
	s28 =	sand.u32 $0x7FFFFC00, s13;
	v2 =	vld [tilespmem:s19+$0x0]  }
0x86: {  	s18 =	sor.u32 s16, s28  }
0x87: {  	v3 =	vld [tilespmem:s18+$0x0];
	_ =	sdelay $0x1  }
0x88: {  	v4 =	vld [tilespmem:s18+$0x100]  }
0x89: {  	vm0 =	vlt.f32 v2, $-Inf;
	vm1 =	vgt.f32 v2, $-Inf  }
0x8a: {  	s20 =	sor.u32 $0x180, s26;
	vm0 =	vmor vm1, vm0  }
0x8b: {  	v5 =	vld [tilespmem:s20+$0x0];
	vm8 =	vgt.f32 v2, v3;
	v6 =	vnsel vm0, $0xFF800000, v2  }
0x8c: {  	v6 =	vsel vm8, v3, v6  }
0x8d: {  	v2 =	vsel vm8, v2, v3;
	vm9 =	vgt.f32 v4, v6  }
0x8e: {  	v8 =	vld [tilespmem:s18+$0x200];
	vm10 =	vgt.f32 v4, v2;
	v6 =	vsel vm9, v4, v6  }
0x8f: {  	v34 =	vsel vm8, $0x1, v1;
	v6 =	vsel vm10, v2, v6  }
0x90: {  	s21 =	sor.u32 $0x280, s26;
	v7 =	vsel vm0, $0x1, v0;
	v2 =	vsel vm10, v4, v2;
	vm11 =	vgt.f32 v5, v6  }
0x91: {  	v3 =	vsel vm8, $0x0, v7;
	v4 =	vld [tilespmem:s21+$0x0];
	vm12 =	vgt.f32 v5, v2;
	v6 =	vsel vm11, v5, v6  }
0x92: {  	v7 =	vsel vm10, $0x2, v34;
	v3 =	vsel vm9, $0x2, v3;
	v6 =	vsel vm12, v2, v6  }
0x93: {  	v3 =	vsel vm10, v34, v3;
	v2 =	vsel vm12, v5, v2;
	vm13 =	vgt.f32 v8, v6  }
0x94: {  	v35 =	vld [tilespmem:s18+$0x300];
	v3 =	vsel vm11, $0x3, v3;
	vm14 =	vgt.f32 v8, v2;
	v6 =	vsel vm13, v8, v6  }
0x95: {  	v3 =	vsel vm12, v7, v3;
	v5 =	vsel vm12, $0x3, v7;
	v6 =	vsel vm14, v2, v6  }
0x96: {  	s22 =	sor.u32 $0x380, s26;
	v3 =	vsel vm13, $0x4, v3;
	v2 =	vsel vm14, v8, v2;
	vm15 =	vgt.f32 v4, v6  }
0x97: {  	v36 =	vld [tilespmem:s22+$0x0];
	v3 =	vsel vm14, v5, v3;
	vm4 =	vgt.f32 v4, v2;
	v6 =	vsel vm15, v4, v6  }
0x98: {  	v5 =	vsel vm14, $0x4, v5;
	v3 =	vsel vm15, $0x5, v3;
	v6 =	vsel vm4, v2, v6  }
0x99: {  	s23 =	sor.u32 $0x800, s18;
	v2 =	vsel vm4, v4, v2;
	v4 =	vsel vm4, $0x5, v5;
	vm5 =	vgt.f32 v35, v6  }
0x9a: {  	v3 =	vsel vm4, v5, v3;
	v5 =	vld [tilespmem:s23+$0x0];
	vm6 =	vgt.f32 v35, v2;
	v6 =	vsel vm5, v35, v6  }
0x9b: {  	v6 =	vsel vm6, v2, v6  }
0x9c: {  	s29 =	sor.u32 $0x880, s26;
	v2 =	vsel vm6, v35, v2;
	vm7 =	vgt.f32 v36, v6  }
0x9d: {  	v37 =	vld [tilespmem:s29+$0x0];
	v3 =	vsel vm5, $0x6, v3;
	vm1 =	vgt.f32 v36, v2;
	v6 =	vsel vm7, v36, v6  }
0x9e: {  	v3 =	vsel vm6, v4, v3;
	v6 =	vsel vm1, v2, v6  }
0x9f: {  	s24 =	sor.u32 $0x900, s18;
	v4 =	vsel vm6, $0x6, v4;
	v2 =	vsel vm1, v36, v2;
	vm8 =	vgt.f32 v5, v6  }
0xa0: {  	v38 =	vld [tilespmem:s24+$0x0];
	v3 =	vsel vm7, $0x7, v3;
	vm2 =	vgt.f32 v5, v2;
	v6 =	vsel vm8, v5, v6  }
0xa1: {  	v3 =	vsel vm1, v4, v3;
	v6 =	vsel vm2, v2, v6  }
0xa2: {  	s30 =	sor.u32 $0x980, s26;
	v4 =	vsel vm1, $0x7, v4;
	v2 =	vsel vm2, v5, v2;
	vm9 =	vgt.f32 v37, v6  }
0xa3: {  	v3 =	vsel vm8, $0x8, v3;
	v5 =	vld [tilespmem:s30+$0x0];
	vm10 =	vgt.f32 v37, v2;
	v6 =	vsel vm9, v37, v6  }
0xa4: {  	s25 =	smov.u32 s14;
	v3 =	vsel vm2, v4, v3;
	v4 =	vsel vm2, $0x8, v4;
	v6 =	vsel vm10, v2, v6  }
0xa5: {  	s13 =	smov.u32 s25;
	s25 =	sor.u32 $0xA00, s18;
	v3 =	vsel vm9, $0x9, v3;
	v2 =	vsel vm10, v37, v2;
	vm11 =	vgt.f32 v38, v6  }
0xa6: {  	v39 =	vld [tilespmem:s25+$0x0];
	v3 =	vsel vm10, v4, v3;
	vm1 =	vgt.f32 v38, v2;
	v6 =	vsel vm11, v38, v6  }
0xa7: {  	v4 =	vsel vm10, $0x9, v4;
	v3 =	vsel vm11, $0xA, v3;
	v6 =	vsel vm1, v2, v6  }
0xa8: {  	s31 =	sor.u32 $0xA80, s26;
	v3 =	vsel vm1, v4, v3;
	v2 =	vsel vm1, v38, v2;
	vm12 =	vgt.f32 v5, v6  }
0xa9: {  	v40 =	vld [tilespmem:s31+$0x0];
	v4 =	vsel vm1, $0xA, v4;
	vm1 =	vgt.f32 v5, v2;
	v6 =	vsel vm12, v5, v6  }
0xaa: {  	v6 =	vsel vm1, v2, v6  }
0xab: {  	s17 =	sshrl.u32 s28, $0x2;
	s28 =	sor.u32 $0xB00, s18;
	v2 =	vsel vm1, v5, v2;
	vm13 =	vgt.f32 v39, v6  }
0xac: {  	v3 =	vsel vm12, $0xB, v3;
	v5 =	vld [tilespmem:s28+$0x0];
	vm14 =	vgt.f32 v39, v2;
	v6 =	vsel vm13, v39, v6  }
0xad: {  	v3 =	vsel vm1, v4, v3;
	v6 =	vsel vm14, v2, v6  }
0xae: {  	s26 =	sor.u32 $0xB80, s26;
	v4 =	vsel vm1, $0xB, v4;
	v2 =	vsel vm14, v39, v2;
	vm15 =	vgt.f32 v40, v6  }
0xaf: {  	v41 =	vld [tilespmem:s26+$0x0];
	v3 =	vsel vm13, $0xC, v3;
	vm4 =	vgt.f32 v40, v2;
	v6 =	vsel vm15, v40, v6  }
0xb0: {  	v3 =	vsel vm14, v4, v3;
	v4 =	vsel vm14, $0xC, v4;
	v6 =	vsel vm4, v2, v6  }
0xb1: {  	v3 =	vsel vm15, $0xD, v3;
	v2 =	vsel vm4, v40, v2;
	vm5 =	vgt.f32 v5, v6  }
0xb2: {  	v3 =	vsel vm4, v4, v3;
	vm6 =	vgt.f32 v5, v2;
	v6 =	vsel vm5, v5, v6  }
0xb3: {  	v4 =	vsel vm4, $0xD, v4;
	v3 =	vsel vm5, $0xE, v3;
	v6 =	vsel vm6, v2, v6  }
0xb4: {  	v5 =	vsel vm6, v5, v2;
	v3 =	vsel vm6, v4, v3;
	vm7 =	vgt.f32 v41, v6  }
0xb5: {  	v4 =	vsel vm6, $0xE, v4;
	vm8 =	vgt.f32 v41, v5;
	v2 =	vsel vm7, v41, v6  }
0xb6: {  	v3 =	vsel vm7, $0xF, v3;
	v6 =	vsel vm8, v5, v2;
	v5 =	vsel vm8, v41, v5  }
0xb7: {  	v2 =	vsel vm8, v4, v3;
	v3 =	vsel vm8, $0xF, v4;
	v4 =	vsub.f32 v6, v5;
	_ =	sdelay $0x1  }
0xb8: {  	v4 =	vmul.f32 $1.442695020e+00, v4;
	_ =	sdelay $0x1  }
0xb9: {  	(erf) = vpow2.f32 v4;
	_ =	sdelay $0x8  }
0xba: {  	v4 =	vpop (erf)  }
0xbb: {  	v4 =	vadd.f32 $1.000000000e+00, v4;
	_ =	sdelay $0x1  }
0xbc: {  	vm9 =	veq.s32 v3, $0xE;
	(erf) = vrcp.f32 v4;
	v4 =	vimm.s32 $0x0  }
0xbd: {  	v4 =	vsel vm9, $0xFFFFFFFF, v4  }
0xbe: {  	vm10 =	veq.s32 v2, $0xF;
	[tilespmem:$0x1FF10] =	vst v4;
	v4 =	vimm.s32 $0x0  }
0xbf: {  	v4 =	vsel vm10, $0xFFFFFFFF, v4  }
0xc0: {  	vm11 =	veq.s32 v3, $0xC;
	[tilespmem:$0x1FF20] =	vst v4;
	v4 =	vimm.s32 $0x0  }
0xc1: {  	v4 =	vsel vm11, $0xFFFFFFFF, v4  }
0xc2: {  	vm12 =	veq.s32 v3, $0xD;
	[tilespmem:$0x1FEF0] =	vst v4;
	v4 =	vimm.s32 $0x0  }
0xc3: {  	v4 =	vsel vm12, $0xFFFFFFFF, v4  }
0xc4: {  	vm13 =	veq.s32 v2, $0xE;
	[tilespmem:$0x1FF00] =	vst v4;
	v4 =	vimm.s32 $0x0  }
0xc5: {  	v4 =	vsel vm13, $0xFFFFFFFF, v4  }
0xc6: {  	vm14 =	veq.s32 v3, $0xB;
	[tilespmem:$0x1FEE0] =	vst v4;
	v4 =	vimm.s32 $0x0  }
0xc7: {  	v4 =	vsel vm14, $0xFFFFFFFF, v4  }
0xc8: {  	vm15 =	veq.s32 v2, $0xC;
	[tilespmem:$0x1FEB0] =	vst v4;
	v4 =	vimm.s32 $0x0  }
0xc9: {  	v4 =	vsel vm15, $0xFFFFFFFF, v4  }
0xca: {  	vm4 =	veq.s32 v2, $0xD;
	[tilespmem:$0x1FEC0] =	vst v4;
	v4 =	vimm.s32 $0x0  }
0xcb: {  	v4 =	vsel vm4, $0xFFFFFFFF, v4  }
0xcc: {  	vm5 =	veq.s32 v3, $0x9;
	[tilespmem:$0x1FED0] =	vst v4;
	v4 =	vimm.s32 $0x0  }
0xcd: {  	v4 =	vsel vm5, $0xFFFFFFFF, v4  }
0xce: {  	vm6 =	veq.s32 v3, $0xA;
	[tilespmem:$0x1FE90] =	vst v4;
	v4 =	vimm.s32 $0x0  }
0xcf: {  	v4 =	vsel vm6, $0xFFFFFFFF, v4  }
0xd0: {  	vm7 =	veq.s32 v2, $0xB;
	[tilespmem:$0x1FEA0] =	vst v4;
	v4 =	vimm.s32 $0x0  }
0xd1: {  	v4 =	vsel vm7, $0xFFFFFFFF, v4  }
0xd2: {  	vm8 =	veq.s32 v3, $0x8;
	[tilespmem:$0x1FE80] =	vst v4;
	v4 =	vimm.s32 $0x0  }
0xd3: {  	v4 =	vsel vm8, $0xFFFFFFFF, v4  }
0xd4: {  	vm9 =	veq.s32 v2, $0x9;
	[tilespmem:$0x1FE50] =	vst v4;
	v4 =	vimm.s32 $0x0  }
0xd5: {  	v4 =	vsel vm9, $0xFFFFFFFF, v4  }
0xd6: {  	vm10 =	veq.s32 v2, $0xA;
	[tilespmem:$0x1FE60] =	vst v4;
	v4 =	vimm.s32 $0x0  }
0xd7: {  	v4 =	vsel vm10, $0xFFFFFFFF, v4  }
0xd8: {  	vm11 =	veq.s32 v3, $0x6;
	[tilespmem:$0x1FE70] =	vst v4;
	v4 =	vimm.s32 $0x0  }
0xd9: {  	vm3 =	veq.s32 v3, $0x1;
	v4 =	vsel vm11, $0xFFFFFFFF, v4  }
0xda: {  	vm0 =	veq.s32 v2, $0x0;
	vm1 =	veq.s32 v2, $0x1;
	vm2 =	veq.s32 v2, $0x2;
	v57 =	vld [tilespmem:$0x1FEB0]  }
0xdb: {  	vm12 =	veq.s32 v2, $0x6;
	vm13 =	veq.s32 v2, $0x7;
	vm14 =	veq.s32 v2, $0x8;
	v58 =	vld [tilespmem:$0x1FEC0]  }
0xdc: {  	vm15 =	veq.s32 v3, $0x7;
	vm4 =	veq.s32 v3, $0x0;
	vm5 =	veq.s32 v3, $0x2;
	v59 =	vld [tilespmem:$0x1FED0];
	[tilespmem:$0x1FE40] =	vst v4;
	v4 =	vpop (erf)  }
0xdd: {  	vm6 =	veq.s32 v2, $0x4;
	vm7 =	veq.s32 v2, $0x3;
	v56 =	vld [tilespmem:$0x1FEA0];
	v5 =	vsub.f32 $1.000000000e+00, v4  }
0xde: {  	vm8 =	veq.s32 v2, $0x5;
	vm9 =	veq.s32 v3, $0x4;
	v52 =	vld [tilespmem:$0x1FE50];
	vm10 =	veq.s32 v3, $0x3  }
0xdf: {  	v53 =	vld [tilespmem:$0x1FE60];
	vm11 =	veq.s32 v3, $0x5;
	v42 =	vnsel vm0, $0x0, v5;
	v43 =	vnsel vm1, $0x0, v5  }
0xe0: {  	v50 =	vld [tilespmem:$0x1FE40];
	v44 =	vnsel vm2, $0x0, v5;
	v45 =	vnsel vm7, $0x0, v5;
	v6 =	vsel vm4, v4, v42  }
0xe1: {  	v12 =	vld [tilespmem:$0x1FE80];
	v9 =	vnsel vm6, $0x0, v5;
	v10 =	vnsel vm8, $0x0, v5;
	v7 =	vsel vm3, v4, v43;
	[tilespmem:s18+$0x1000] =	vst v6  }
0xe2: {  	v54 =	vld [tilespmem:$0x1FE70];
	v48 =	vnsel vm12, $0x0, v5;
	v49 =	vnsel vm13, $0x0, v5;
	v8 =	vsel vm5, v4, v44;
	[tilespmem:s19+$0x1000] =	vst v7  }
0xe3: {  	v55 =	vld [tilespmem:$0x1FE90];
	v11 =	vnsel vm14, $0x0, v5;
	vm13 =	vnez.u8 v52;
	v6 =	vsel vm10, v4, v45;
	[tilespmem:s18+$0x1100] =	vst v8  }
0xe4: {  	v60 =	vld [tilespmem:$0x1FEF0];
	vm14 =	vnez.u8 v53;
	vm6 =	vnez.u8 v56;
	v46 =	vsel vm9, v4, v9;
	[tilespmem:s20+$0x1000] =	vst v6  }
0xe5: {  	v62 =	vld [tilespmem:$0x1FF10];
	vm7 =	vnez.u8 v57;
	v47 =	vsel vm11, v4, v10;
	vm12 =	vnez.u8 v50;
	[tilespmem:s18+$0x1200] =	vst v46  }
0xe6: {  	v13 =	vld [tilespmem:$0x1FEE0];
	vm8 =	vnez.u8 v58;
	v51 =	vsel vm15, v4, v49;
	v6 =	vsel vm12, v4, v48;
	[tilespmem:s21+$0x1000] =	vst v47  }
0xe7: {  	v61 =	vld [tilespmem:$0x1FF00];
	v10 =	vsel vm13, v4, v11;
	vm15 =	vnez.u8 v54;
	vm4 =	vnez.u8 v12;
	[tilespmem:s18+$0x1300] =	vst v6  }
0xe8: {  	v63 =	vld [tilespmem:$0x1FF20];
	vm5 =	vnez.u8 v55;
	vm9 =	vnez.u8 v59;
	v7 =	vnsel vm14, $0x0, v5;
	[tilespmem:s22+$0x1000] =	vst v51  }
0xe9: {  	vm11 =	vnez.u8 v60;
	v11 =	vnsel vm15, $0x0, v5;
	v7 =	vsel vm5, v4, v7;
	[tilespmem:s18+$0x1800] =	vst v10  }
0xea: {  	vm13 =	vnez.u8 v62;
	v12 =	vnsel vm4, $0x0, v5;
	v9 =	vsel vm6, v4, v11;
	[tilespmem:s29+$0x1000] =	vst v7  }
0xeb: {  	p0 =	sne.s32 s14, $0x780;
	vm10 =	vnez.u8 v13;
	v11 =	vsel vm7, v4, v12;
	v6 =	vnsel vm8, $0x0, v5;
	[tilespmem:s18+$0x1900] =	vst v9  }
.Ltmp0:
0xec: {  	v12 =	vnsel vm9, $0x0, v5;
	vm12 =	vnez.u8 v61;
	v6 =	vsel vm11, v4, v6;
	[tilespmem:s30+$0x1000] =	vst v11;
	(pc) =	sbr.rel @p0 .LBB2_2-.Ltmp0, $4  }
0xed: {  	vm15 =	vnez.u8 v63;
	v13 =	vnsel vm10, $0x0, v5;
	v8 =	vsel vm12, v4, v12;
	[tilespmem:s18+$0x1A00] =	vst v6  }
0xee: {  	vm14 =	veq.s32 v3, $0xF;
	v12 =	vsel vm13, v4, v13;
	v5 =	vnsel vm15, $0x0, v5;
	[tilespmem:s31+$0x1000] =	vst v8  }
0xef: {  	s14 =	sadd.s32 $0x80, s14;
	v4 =	vsel vm14, v4, v5;
	[tilespmem:s18+$0x1B00] =	vst v12  }
0xf0: {  	s15 =	sadd.s32 $0x10, s15;
	s17 =	sor.u32 s16, s17;
	s18 =	sand.u32 $0xFFFFFC00, s13;
	[tilespmem:s26+$0x1000] =	vst v4  }
0xf1: {  	s23 =	sadd.s32 s18, s15;
	[tilespmem:s17+$0x2000] =	vst v3  }
0xf2: {  	[tilespmem:s17+$0x2080] =	vst v2;
	s16 =	sor.u32 $0x80, s23  }
0xf3: {  	s14 =	sand.u32 $0x70, s15;
	s13 =	sand.u32 $0x7FFFFC00, s13;
	v2 =	vld [tilespmem:s16+$0x0]  }
0xf4: {  	s15 =	sor.u32 s14, s13  }
0xf5: {  	v3 =	vld [tilespmem:s15+$0x0];
	_ =	sdelay $0x1  }
0xf6: {  	v4 =	vld [tilespmem:s15+$0x100]  }
0xf7: {  	vm0 =	vlt.f32 v2, $-Inf;
	vm1 =	vgt.f32 v2, $-Inf  }
0xf8: {  	vm13 =	vmor vm1, vm0  }
0xf9: {  	s28 =	sor.u32 $0x180, s23;
	vm8 =	vgt.f32 v2, v3;
	v6 =	vnsel vm13, $0xFF800000, v2  }
0xfa: {  	v5 =	vld [tilespmem:s28+$0x0];
	v6 =	vsel vm8, v3, v6  }
0xfb: {  	v2 =	vsel vm8, v2, v3;
	v3 =	vimm.s32 $0x0;
	vm7 =	vgt.f32 v4, v6  }
0xfc: {  	v3 =	vsel vm7, $0xFFFFFFFF, v3  }
0xfd: {  	vm10 =	vgt.f32 v4, v2;
	v6 =	vsel vm7, v4, v6;
	[tilespmem:$0x1FD70] =	vst v3;
	v3 =	vld [tilespmem:s15+$0x200]  }
0xfe: {  	v6 =	vsel vm10, v2, v6  }
0xff: {  	s18 =	sor.u32 $0x280, s23;
	v2 =	vsel vm10, v4, v2;
	vm11 =	vgt.f32 v5, v6  }
0x100: {  	v18 =	vld [tilespmem:s18+$0x0];
	vm7 =	vgt.f32 v5, v2;
	v6 =	vsel vm11, v5, v6  }
0x101: {  	v6 =	vsel vm7, v2, v6  }
0x102: {  	v2 =	vsel vm7, v5, v2;
	vm12 =	vgt.f32 v3, v6  }
0x103: {  	vm6 =	vgt.f32 v3, v2;
	v6 =	vsel vm12, v3, v6  }
0x104: {  	v20 =	vld [tilespmem:s15+$0x300];
	v6 =	vsel vm6, v2, v6  }
0x105: {  	v2 =	vsel vm6, v3, v2;
	v3 =	vimm.s32 $0x0;
	vm14 =	vgt.f32 v18, v6  }
0x106: {  	s19 =	sor.u32 $0x380, s23;
	v3 =	vsel vm14, $0xFFFFFFFF, v3  }
0x107: {  	vm9 =	vgt.f32 v18, v2;
	v6 =	vsel vm14, v18, v6;
	[tilespmem:$0x1FDA0] =	vst v3;
	v3 =	vld [tilespmem:s19+$0x0]  }
0x108: {  	v6 =	vsel vm9, v2, v6  }
0x109: {  	v17 =	vimm.s32 $0x0;
	s20 =	sor.u32 $0x800, s15;
	v2 =	vsel vm9, v18, v2;
	vm15 =	vgt.f32 v20, v6  }
0x10a: {  	v22 =	vld [tilespmem:s20+$0x0];
	v4 =	vsel vm11, $0xFFFFFFFF, v17;
	vm11 =	vgt.f32 v20, v2;
	v6 =	vsel vm15, v20, v6  }
0x10b: {  	v6 =	vsel vm11, v2, v6  }
0x10c: {  	v19 =	vimm.s32 $0x0;
	v2 =	vsel vm11, v20, v2;
	vm4 =	vgt.f32 v3, v6  }
0x10d: {  	s29 =	sor.u32 $0x880, s23;
	v5 =	vsel vm12, $0xFFFFFFFF, v19;
	vm12 =	vgt.f32 v3, v2;
	v6 =	vsel vm4, v3, v6  }
0x10e: {  	v24 =	vld [tilespmem:s29+$0x0];
	v6 =	vsel vm12, v2, v6  }
0x10f: {  	v2 =	vsel vm12, v3, v2;
	v3 =	vimm.s32 $0x0;
	vm5 =	vgt.f32 v22, v6  }
0x110: {  	s21 =	sor.u32 $0x900, s15;
	v3 =	vsel vm5, $0xFFFFFFFF, v3  }
0x111: {  	vm14 =	vgt.f32 v22, v2;
	v6 =	vsel vm5, v22, v6;
	[tilespmem:$0x1FDD0] =	vst v3;
	v3 =	vld [tilespmem:s21+$0x0]  }
0x112: {  	v21 =	vimm.s32 $0x0;
	v6 =	vsel vm14, v2, v6  }
0x113: {  	s30 =	sor.u32 $0x980, s23;
	[tilespmem:$0x1FD80] =	vst v4;
	v4 =	vsel vm15, $0xFFFFFFFF, v21;
	v2 =	vsel vm14, v22, v2;
	vm15 =	vgt.f32 v24, v6  }
0x114: {  	v23 =	vimm.s32 $0x0;
	v26 =	vld [tilespmem:s30+$0x0];
	vm5 =	vgt.f32 v24, v2;
	v6 =	vsel vm15, v24, v6  }
0x115: {  	v25 =	vimm.s32 $0x0;
	v27 =	vimm.s32 $0x0;
	v6 =	vsel vm5, v2, v6  }
0x116: {  	[tilespmem:$0x1FD90] =	vst v5;
	v5 =	vsel vm4, $0xFFFFFFFF, v23;
	v2 =	vsel vm5, v24, v2;
	vm4 =	vgt.f32 v3, v6  }
0x117: {  	s22 =	sor.u32 $0xA00, s15;
	[tilespmem:$0x1FDC0] =	vst v5;
	v5 =	vsel vm4, $0xFFFFFFFF, v27;
	v6 =	vsel vm4, v3, v6;
	vm4 =	vgt.f32 v3, v2  }
0x118: {  	v28 =	vld [tilespmem:s22+$0x0];
	[tilespmem:$0x1FDB0] =	vst v4;
	v4 =	vsel vm15, $0xFFFFFFFF, v25;
	v6 =	vsel vm4, v2, v6  }
0x119: {  	v2 =	vsel vm4, v3, v2;
	v3 =	vimm.s32 $0x0;
	vm15 =	vgt.f32 v26, v6  }
0x11a: {  	s31 =	sor.u32 $0xA80, s23;
	v3 =	vsel vm15, $0xFFFFFFFF, v3  }
0x11b: {  	vm3 =	vgt.f32 v26, v2;
	v6 =	vsel vm15, v26, v6;
	[tilespmem:$0x1FE00] =	vst v3;
	v3 =	vld [tilespmem:s31+$0x0]  }
0x11c: {  	v6 =	vsel vm3, v2, v6  }
0x11d: {  	s24 =	sor.u32 $0xB00, s15;
	v2 =	vsel vm3, v26, v2;
	vm15 =	vgt.f32 v28, v6  }
0x11e: {  	v30 =	vld [tilespmem:s24+$0x0];
	vm2 =	vgt.f32 v28, v2;
	v6 =	vsel vm15, v28, v6  }
0x11f: {  	v29 =	vimm.s32 $0x0;
	v6 =	vsel vm2, v2, v6  }
0x120: {  	[tilespmem:$0x1FDE0] =	vst v4;
	v4 =	vsel vm15, $0xFFFFFFFF, v29;
	v2 =	vsel vm2, v28, v2;
	vm15 =	vgt.f32 v3, v6  }
0x121: {  	v31 =	vimm.s32 $0x0;
	s23 =	sor.u32 $0xB80, s23;
	vm1 =	vgt.f32 v3, v2;
	v6 =	vsel vm15, v3, v6  }
0x122: {  	v32 =	vld [tilespmem:s23+$0x0];
	[tilespmem:$0x1FDF0] =	vst v5;
	v5 =	vsel vm15, $0xFFFFFFFF, v31;
	v6 =	vsel vm1, v2, v6  }
0x123: {  	v7 =	vld [tilespmem:$0x1FD70];
	v2 =	vsel vm1, v3, v2;
	v3 =	vimm.s32 $0x0;
	vm15 =	vgt.f32 v30, v6  }
0x124: {  	v3 =	vsel vm15, $0xFFFFFFFF, v3  }
0x125: {  	v36 =	vld [tilespmem:$0x1FD80];
	vm0 =	vgt.f32 v30, v2;
	[tilespmem:$0x1FE30] =	vst v3;
	v3 =	vsel vm15, v30, v6  }
0x126: {  	v34 =	vsel vm8, $0x1, v1;
	v33 =	vsel vm13, $0x1, v0;
	v3 =	vsel vm0, v2, v3  }
0x127: {  	v37 =	vld [tilespmem:$0x1FD90];
	v6 =	vsel vm8, $0x0, v33;
	v2 =	vsel vm0, v30, v2;
	vm13 =	vgt.f32 v32, v3  }
0x128: {  	vm15 =	vnez.u8 v7;
	vm8 =	vgt.f32 v32, v2;
	v3 =	vsel vm13, v32, v3  }
0x129: {  	v6 =	vsel vm15, $0x2, v6;
	v3 =	vsel vm8, v2, v3;
	v2 =	vsel vm8, v32, v2  }
0x12a: {  	vm15 =	vnez.u8 v36;
	v35 =	vsel vm10, v34, v6;
	v2 =	vsub.f32 v3, v2  }
0x12b: {  	[tilespmem:$0x1FE10] =	vst v4;
	v4 =	vsel vm15, $0x3, v35;
	v3 =	vsel vm10, $0x2, v34  }
0x12c: {  	vm15 =	vnez.u8 v37;
	v4 =	vsel vm7, v3, v4;
	v2 =	vmul.f32 $1.442695020e+00, v2  }
0x12d: {  	v3 =	vsel vm7, $0x3, v3;
	v4 =	vsel vm15, $0x4, v4  }
0x12e: {  	v4 =	vsel vm6, v3, v4;
	(erf) = vpow2.f32 v2;
	v2 =	vsel vm6, $0x4, v3;
	v3 =	vld [tilespmem:$0x1FDA0];
	_ =	sdelay $0x1  }
0x12f: {  	v38 =	vld [tilespmem:$0x1FDB0];
	_ =	sdelay $0x1  }
0x130: {  	v39 =	vld [tilespmem:$0x1FDC0]  }
0x131: {  	vm10 =	vnez.u8 v3  }
0x132: {  	v40 =	vld [tilespmem:$0x1FDD0];
	v3 =	vsel vm10, $0x5, v4  }
0x133: {  	vm15 =	vnez.u8 v38;
	v3 =	vsel vm9, v2, v3  }
0x134: {  	v41 =	vld [tilespmem:$0x1FDE0];
	v2 =	vsel vm9, $0x5, v2;
	v3 =	vsel vm15, $0x6, v3  }
0x135: {  	vm9 =	vnez.u8 v39;
	v3 =	vsel vm11, v2, v3  }
0x136: {  	v43 =	vld [tilespmem:$0x1FDF0];
	v2 =	vsel vm11, $0x6, v2;
	v3 =	vsel vm9, $0x7, v3  }
0x137: {  	vm10 =	vnez.u8 v40;
	v3 =	vsel vm12, v2, v3  }
0x138: {  	v44 =	vld [tilespmem:$0x1FE00];
	v2 =	vsel vm12, $0x7, v2;
	v3 =	vsel vm10, $0x8, v3  }
0x139: {  	vm11 =	vnez.u8 v41;
	v3 =	vsel vm14, v2, v3  }
0x13a: {  	v45 =	vld [tilespmem:$0x1FE10];
	v42 =	vpop (erf);
	v2 =	vsel vm14, $0x8, v2;
	v3 =	vsel vm11, $0x9, v3  }
0x13b: {  	[tilespmem:$0x1FE20] =	vst v5;
	v4 =	vadd.f32 $1.000000000e+00, v42;
	vm12 =	vnez.u8 v43;
	v3 =	vsel vm5, v2, v3  }
0x13c: {  	v46 =	vld [tilespmem:$0x1FE20];
	v2 =	vsel vm5, $0x9, v2;
	v3 =	vsel vm12, $0xA, v3  }
0x13d: {  	(erf) = vrcp.f32 v4;
	vm14 =	vnez.u8 v44;
	v3 =	vsel vm4, v2, v3  }
0x13e: {  	v47 =	vld [tilespmem:$0x1FE30];
	v2 =	vsel vm4, $0xA, v2;
	v3 =	vsel vm14, $0xB, v3  }
0x13f: {  	vm15 =	vnez.u8 v45;
	v3 =	vsel vm3, v2, v3  }
0x140: {  	v2 =	vsel vm3, $0xB, v2;
	v3 =	vsel vm15, $0xC, v3  }
0x141: {  	vm5 =	vnez.u8 v46;
	v3 =	vsel vm2, v2, v3  }
0x142: {  	v2 =	vsel vm2, $0xC, v2;
	v3 =	vsel vm5, $0xD, v3  }
0x143: {  	vm6 =	vnez.u8 v47;
	v3 =	vsel vm1, v2, v3  }
0x144: {  	v2 =	vsel vm1, $0xD, v2;
	v3 =	vsel vm6, $0xE, v3  }
0x145: {  	v3 =	vsel vm0, v2, v3  }
0x146: {  	v48 =	vpop (erf);
	v2 =	vsel vm0, $0xE, v2;
	v3 =	vsel vm13, $0xF, v3  }
0x147: {  	v49 =	vsub.f32 $1.000000000e+00, v48;
	v3 =	vsel vm8, v2, v3;
	v2 =	vsel vm8, $0xF, v2  }
0x148: {  	vm7 =	veq.s32 v3, $0x0;
	vm9 =	veq.s32 v3, $0x1;
	vm10 =	veq.s32 v2, $0x0  }
0x149: {  	vm11 =	veq.s32 v3, $0x2;
	vm12 =	veq.s32 v2, $0x1;
	vm13 =	veq.s32 v2, $0x2  }
0x14a: {  	vm14 =	veq.s32 v3, $0x3;
	vm15 =	veq.s32 v3, $0x4;
	vm4 =	veq.s32 v2, $0x3  }
0x14b: {  	vm5 =	veq.s32 v3, $0x5;
	vm6 =	veq.s32 v2, $0x4;
	vm8 =	veq.s32 v3, $0x6  }
0x14c: {  	v50 =	vnsel vm7, $0x0, v49;
	v51 =	vnsel vm9, $0x0, v49;
	v8 =	vnsel vm11, $0x0, v49  }
0x14d: {  	v9 =	vnsel vm14, $0x0, v49;
	v10 =	vnsel vm15, $0x0, v49;
	v11 =	vnsel vm5, $0x0, v49  }
0x14e: {  	vm7 =	veq.s32 v2, $0x5;
	vm9 =	veq.s32 v3, $0x7;
	v6 =	vsel vm10, v48, v50  }
0x14f: {  	v53 =	vnsel vm8, $0x0, v49;
	vm11 =	veq.s32 v3, $0x8;
	v7 =	vsel vm12, v48, v51;
	[tilespmem:s15+$0x1000] =	vst v6  }
0x150: {  	vm14 =	veq.s32 v3, $0x9;
	vm15 =	veq.s32 v3, $0xA;
	v8 =	vsel vm13, v48, v8;
	[tilespmem:s16+$0x1000] =	vst v7  }
0x151: {  	vm5 =	veq.s32 v3, $0xB;
	vm8 =	veq.s32 v3, $0xC;
	v9 =	vsel vm4, v48, v9;
	[tilespmem:s15+$0x1100] =	vst v8  }
0x152: {  	v10 =	vsel vm6, v48, v10;
	v52 =	vsel vm7, v48, v11;
	vm10 =	veq.s32 v2, $0x6;
	[tilespmem:s28+$0x1000] =	vst v9  }
0x153: {  	v54 =	vnsel vm9, $0x0, v49;
	v55 =	vnsel vm11, $0x0, v49;
	vm12 =	veq.s32 v2, $0x7;
	[tilespmem:s15+$0x1200] =	vst v10  }
0x154: {  	vm13 =	veq.s32 v2, $0x8;
	v57 =	vnsel vm14, $0x0, v49;
	v7 =	vsel vm10, v48, v53;
	[tilespmem:s18+$0x1000] =	vst v52  }
0x155: {  	vm4 =	veq.s32 v2, $0x9;
	v58 =	vnsel vm15, $0x0, v49;
	v56 =	vsel vm12, v48, v54;
	[tilespmem:s15+$0x1300] =	vst v7  }
0x156: {  	v59 =	vnsel vm5, $0x0, v49;
	vm6 =	veq.s32 v2, $0xA;
	v8 =	vsel vm13, v48, v55;
	[tilespmem:s19+$0x1000] =	vst v56  }
0x157: {  	vm7 =	veq.s32 v2, $0xB;
	vm9 =	veq.s32 v3, $0xD;
	v10 =	vsel vm4, v48, v57;
	[tilespmem:s15+$0x1800] =	vst v8  }
0x158: {  	v60 =	vnsel vm8, $0x0, v49;
	vm11 =	veq.s32 v3, $0xE;
	v6 =	vsel vm6, v48, v58;
	[tilespmem:s29+$0x1000] =	vst v10  }
0x159: {  	vm14 =	veq.s32 v3, $0xF;
	vm10 =	veq.s32 v2, $0xC;
	v7 =	vsel vm7, v48, v59;
	[tilespmem:s15+$0x1900] =	vst v6  }
0x15a: {  	v61 =	vnsel vm9, $0x0, v49;
	vm12 =	veq.s32 v2, $0xD;
	v8 =	vsel vm10, v48, v60;
	[tilespmem:s30+$0x1000] =	vst v7  }
0x15b: {  	v62 =	vnsel vm11, $0x0, v49;
	v63 =	vsel vm12, v48, v61;
	vm13 =	veq.s32 v2, $0xE;
	[tilespmem:s15+$0x1A00] =	vst v8  }
0x15c: {  	vm15 =	veq.s32 v2, $0xF;
	v5 =	vnsel vm14, $0x0, v49;
	v6 =	vsel vm13, v48, v62;
	[tilespmem:s31+$0x1000] =	vst v63  }
0x15d: {  	s13 =	sshrl.u32 s13, $0x2;
	v4 =	vsel vm15, v48, v5;
	[tilespmem:s15+$0x1B00] =	vst v6  }
0x15e: {  	s13 =	sor.u32 s14, s13;
	[tilespmem:s23+$0x1000] =	vst v4  }
0x15f: {  	[tilespmem:s13+$0x2000] =	vst v2  }
0x160: {  	[tilespmem:s13+$0x2080] =	vst v3  }
0x161: {  	[hbm4b:s4+s7] =	stream.strided.scatter [tilespmem:s10], [sflag:$0x1], $0x1000, s8, s7, $0x38;
	[tilespmem:$0x2200] =	vst v63  }
0x162: {  	s12 =	sadd.s32 $0x1, s12;
	_ =	swait.ge [sflag:s9], $0x1000  }
0x163: {  	p0 =	sne.s32 s12, s6;
	[sflag:s9] =	ssyncset.done $0x0  }
.Ltmp1:
0x164: {  	[sflag:s9] =	ssyncadd.s32 $0xFFFFF000;
	(pc) =	sbr.rel @p0 .LBB2_1-.Ltmp1, $4  }
0x165: {  	[hbm4b:s5+s2] =	stream.linear.scatter [tilespmem:s11], [sflag:$0x1], $0x200, $0x38;
	[tilespmem:$0x2200] =	vst v63  }
0x166: {  	_ =	swait.ge [sflag:s9], $0x200  }
0x167: {  	[sflag:s9] =	ssyncset.done $0x0  }
0x168: {  	[sflag:s9] =	ssyncadd.s32 $0xFFFFFE00  }
0x169: {  	_ =	sfence.sel $0x180000  }
0x16a: {  	[bflag:$0x0] =	sbarrier.arrive $0xFFFF  }
0x16b: {  	p0 =	sne.s32 s1, $0x0;
	_ =	strace $0x90000047  }
0x16c: {  	s0 =	sadd.s32 @!p0 $0x100000, s0;
	[bflag:$0x2] =	sbarrier.arrive $0xFFFF  }
0x16d: {  	[sflag:s0] =	ssyncadd.tile.s32 @!p0 $0x1;
	_ =	shalt  }
.Lfunc_end2:
_tile_overlayer_lowered:
.L_overlay_start_2:
0x16e: {  	(tag) =	ssettag $0x2  }
0x16f: {  	s0 =	rddreg [dreg:$0x0];
	s2 =	stileid.u32  }
0x170: {  	s1 =	rddreg [dreg:$0x1];
	p0 =	sne.s32 s2, $0x0  }
0x171: {  	s3 =	rddreg [dreg:$0x2];
	[bflag:$0x3] =	sbarrier.arrive $0xFFFF;
	s2 =	simm.s32 @!p0 $0x1C01  }
0x172: {  	[timem:s3], [sflag:s2] =	dma.local @!p0 [hbm:s0], s1  }
0x173: {  	s0 =	simm.s32 @!p0 $0x1  }
0x174: {  	_ =	swait.ge @!p0 [sflag:s0], s1  }
0x175: {  	s1 =	ssub.s32 @!p0 $0x0, s1;
	[sflag:s0] =	ssyncset.done @!p0 $0x0  }
0x176: {  	[sflag:s0] =	ssyncadd.s32 @!p0 s1  }
0x177: {  	[bflag:$0x3] =	sbarrier.arrive $0xFFFF  }
0x178: {  	_ =	shalt  }

</sc_bundles>
